<compile_context>
chip_gen: v7x
topology: tpu7x:2x2x1
jax: 0.10.2.dev20260603
libtpu: 0.0.44.dev20260713+nightly
codegen_flags: <defaults>
</compile_context>

<pallas_src>
import functools

import jax
import jax.numpy as jnp
from jax import lax
from jax.experimental import pallas as pl
from jax.experimental.pallas import tpu as pltpu
from jax.experimental.pallas import tpu_sc as plsc

DIM = 64
EPS = 1e-6
NC = 2
NS = 16
NW = NC * NS
LANES = 16

CH = 1024
STREAM = 128


def _lane_perm(x, idx):
    return lax.gather(
        x, idx[:, None],
        dimension_numbers=lax.GatherDimensionNumbers(
            offset_dims=(), collapsed_slice_dims=(0,), start_index_map=(0,)),
        slice_sizes=(1,),
        mode=lax.GatherScatterMode.PROMISE_IN_BOUNDS)


def _lane_sum(x, perms):
    for p in perms:
        x = x + _lane_perm(x, p)
    return x


def _rsqrt_vec(m):
    t = jnp.full_like(m, 1.0)
    for _ in range(6):
        t = 0.5 * (t + m / t)
    return 1.0 / t


def kernel(input_ids, table, scale):
    B0, S = input_ids.shape
    V, D = table.shape
    B = B0 * S
    assert D == DIM
    assert B % (NW * CH) == 0
    b_per_w = B // NW
    n_ch = b_per_w // CH
    ids_flat = input_ids.reshape(B)

    mesh = plsc.VectorSubcoreMesh(core_axis_name="c", subcore_axis_name="s")

    @functools.partial(
        pl.kernel,
        mesh=mesh,
        out_type=jax.ShapeDtypeStruct((B, D), jnp.float32),
        scratch_types=[
            pltpu.VMEM((CH,), jnp.int32),
            pltpu.VMEM((CH, D), jnp.float32),
            pltpu.VMEM((D,), jnp.float32),
            pltpu.SemaphoreType.DMA,
        ],
        compiler_params=pltpu.CompilerParams(use_tc_tiling_on_sc=False),
    )
    def sc_kernel(ids_hbm, table_hbm, scale_hbm, out_hbm, idx_v, rows_v,
                  scale_v, sem):
        wid = lax.axis_index("s") * NC + lax.axis_index("c")
        base = wid * b_per_w
        pltpu.sync_copy(scale_hbm, scale_v)
        sc = [scale_v[pl.ds(k * LANES, LANES)] for k in range(D // LANES)]
        lane = lax.iota(jnp.int32, LANES)
        perms = [lane ^ d for d in (1, 2, 4, 8)]

        def chunk_body(ci, _):
            off = base + ci * CH
            pltpu.sync_copy(ids_hbm.at[pl.ds(off, CH)], idx_v)
            copies = [
                pltpu.async_copy(
                    table_hbm.at[idx_v.at[pl.ds(j * STREAM, STREAM)]],
                    rows_v.at[pl.ds(j * STREAM, STREAM)],
                    sem,
                )
                for j in range(CH // STREAM)
            ]
            for c in copies:
                c.wait()

            def row_body(r, _):
                x = [rows_v[r, pl.ds(k * LANES, LANES)]
                     for k in range(D // LANES)]
                s = x[0] * x[0]
                for k in range(1, D // LANES):
                    s = s + x[k] * x[k]
                m = _lane_sum(s, perms) * (1.0 / D) + EPS
                y = _rsqrt_vec(m)
                for k in range(D // LANES):
                    rows_v[r, pl.ds(k * LANES, LANES)] = x[k] * y * sc[k]
                return 0

            lax.fori_loop(0, CH, row_body, 0)
            pltpu.sync_copy(rows_v, out_hbm.at[pl.ds(off, CH)])
            return 0

        lax.fori_loop(0, n_ch, chunk_body, 0)

    out = sc_kernel(ids_flat, table, scale)
    return out.reshape(B0, S, D)

# --- scband reference (transcript-rebuilt; emitter-appended) ---
"""Pipeline reference for scband-embedding-component-773094113814 (READ-ONLY COPY).

The authoritative reference and input builder live on the scoring server;
editing this copy changes nothing except your own understanding.
"""

import jax, jax.numpy as jnp
import numpy as np

VOCAB = 1000000
DIM = 64
EPS = 1e-06

def setup_inputs(seed: int = 0) -> dict:
    key = jax.random.key(seed)
    k1, k2 = jax.random.split(key)
    input_ids = jax.random.randint(k1, (4096, 200), 0, VOCAB)
    table = jax.random.normal(k2, (VOCAB, DIM), dtype=jnp.float32)
    # torch.nn.Embedding with padding_idx=0 zero-initializes that row
    table = table.at[0].set(0.0)
    # RMSNorm.learnable_scale initialized to ones(hidden)**(-0.5) == ones
    scale = jnp.ones((DIM,), dtype=jnp.float32)
    return {"input_ids": input_ids, "table": table, "scale": scale}

def reference(input_ids, table, scale):
    # word embedding lookup (pos_embedding is None; dropout p=0 is identity)
    embeds = jnp.take(table, input_ids, axis=0)
    # RMSNorm (LLaMA variant): cast to float32, normalize, cast back, apply scale
    x = embeds.astype(jnp.float32)
    normed = x * jax.lax.rsqrt(jnp.mean(x * x, axis=-1, keepdims=True) + EPS)
    normed = normed.astype(embeds.dtype)
    return normed * scale

if __name__ == "__main__":
    import jax
    _d = setup_inputs()
    print(jax.jit(kernel)(*tuple(_d.values())))

</pallas_src>

<mosaic_0001>
#map = affine_map<(d0, d1) -> (0)>
#map1 = affine_map<(d0, d1) -> (0, 0)>
module attributes {stable_mosaic.version = 14 : i64} {
  func.func @sc_kernel(%arg0: i32, %arg1: i32, %arg2: memref<819200xi32, #tpu.memory_space<hbm>>, %arg3: memref<1000000x64xf32, #tpu.memory_space<hbm>>, %arg4: memref<64xf32, #tpu.memory_space<hbm>>, %arg5: memref<819200x64xf32, #tpu.memory_space<hbm>>, %arg6: memref<1024xi32, #tpu.memory_space<vmem>>, %arg7: memref<1024x64xf32, #tpu.memory_space<vmem>>, %arg8: memref<64xf32, #tpu.memory_space<vmem>>, %arg9: memref<!tpu.dma_semaphore, #tpu.memory_space<semaphore_mem>>) attributes {dimension_semantics = [#tpu.dimension_semantics<core_parallel>, #tpu.dimension_semantics<subcore_parallel>], iteration_bounds = array<i64: 2, 16>, scalar_prefetch = 0 : i64, scratch_operands = 4 : i64, tpu.core_type = #tpu.core_type<sc_vector_subcore>, window_params = [{transform_indices = #map}, {transform_indices = #map1}, {transform_indices = #map}, {transform_indices = #map1}]} {
    %mul3A = arith.constant 2 : i32
    %mul3A_0 = arith.muli %arg1, %mul3A : i32
    %add3A = arith.addi %mul3A_0, %arg0 : i32
    %mul3A_1 = arith.constant 25600 : i32
    %mul3A_2 = arith.muli %add3A, %mul3A_1 : i32
    "tpu.region"() ({
      %run_scoped3A = tpu.sem_alloc : memref<!tpu.dma_semaphore, #tpu.memory_space<semaphore_mem>>
      tpu.enqueue_dma source(%arg4 : memref<64xf32, #tpu.memory_space<hbm>>) target(%arg8 : memref<64xf32, #tpu.memory_space<vmem>>) target_semaphore(%run_scoped3A : memref<!tpu.dma_semaphore, #tpu.memory_space<semaphore_mem>>)
      tpu.wait_dma2 semaphore(%run_scoped3A : memref<!tpu.dma_semaphore, #tpu.memory_space<semaphore_mem>>) src(%arg4 : memref<64xf32, #tpu.memory_space<hbm>>) dst(%arg8 : memref<64xf32, #tpu.memory_space<vmem>>)
      tpu.yield
    }) : () -> ()
    %get3A = arith.constant 0 : index
    %get3A_3 = tpu.vector_load %arg8[%get3A] {strides = array<i32>} : memref<64xf32, #tpu.memory_space<vmem>>, vector<16xf32>,
    %get3A_4 = vector.shape_cast %get3A_3 : vector<16xf32> to vector<16xf32>
    %get3A_5 = arith.constant 16 : index
    %get3A_6 = tpu.vector_load %arg8[%get3A_5] {strides = array<i32>} : memref<64xf32, #tpu.memory_space<vmem>>, vector<16xf32>,
    %get3A_7 = vector.shape_cast %get3A_6 : vector<16xf32> to vector<16xf32>
    %get3A_8 = arith.constant 32 : index
    %get3A_9 = tpu.vector_load %arg8[%get3A_8] {strides = array<i32>} : memref<64xf32, #tpu.memory_space<vmem>>, vector<16xf32>,
    %get3A_10 = vector.shape_cast %get3A_9 : vector<16xf32> to vector<16xf32>
    %get3A_11 = arith.constant 48 : index
    %get3A_12 = tpu.vector_load %arg8[%get3A_11] {strides = array<i32>} : memref<64xf32, #tpu.memory_space<vmem>>, vector<16xf32>,
    %get3A_13 = vector.shape_cast %get3A_12 : vector<16xf32> to vector<16xf32>
    %iota3A = tpu.iota {dimensions = array<i32: 0>} : vector<16xi32>
    %xor3A = arith.constant 1 : i32
    %xor3A_14 = vector.broadcast %xor3A : i32 to vector<16xi32>
    %xor3A_15 = arith.xori %iota3A, %xor3A_14 : vector<16xi32>
    %xor3A_16 = arith.constant 2 : i32
    %xor3A_17 = vector.broadcast %xor3A_16 : i32 to vector<16xi32>
    %xor3A_18 = arith.xori %iota3A, %xor3A_17 : vector<16xi32>
    %xor3A_19 = arith.constant 4 : i32
    %xor3A_20 = vector.broadcast %xor3A_19 : i32 to vector<16xi32>
    %xor3A_21 = arith.xori %iota3A, %xor3A_20 : vector<16xi32>
    %xor3A_22 = arith.constant 8 : i32
    %xor3A_23 = vector.broadcast %xor3A_22 : i32 to vector<16xi32>
    %xor3A_24 = arith.xori %iota3A, %xor3A_23 : vector<16xi32>
    %scan3A = arith.constant 0 : i32
    %scan3A_25 = arith.constant 0 : i32
    %scan3A_26 = arith.constant 25 : i32
    %scan3A_27 = arith.addi %scan3A_25, %scan3A_26 : i32
    %scan3A_28 = arith.constant 1 : i32
    %scan3A_29 = scf.for %scan3A_31 = %scan3A_25 to %scan3A_27 step %scan3A_28 iter_args(%scan3A_32 = %scan3A) -> (i32)  : i32 {
      %mul3A_33 = arith.constant 1024 : i32
      %mul3A_34 = arith.muli %scan3A_31, %mul3A_33 : i32
      %add3A_35 = arith.addi %mul3A_2, %mul3A_34 : i32
      "tpu.region"() ({
        %run_scoped3A = tpu.sem_alloc : memref<!tpu.dma_semaphore, #tpu.memory_space<semaphore_mem>>
        %dma_start3A_170 = tpu.memref_slice %arg2[%add3A_35] : memref<819200xi32, #tpu.memory_space<hbm>> -> memref<1024xi32, #tpu.memory_space<hbm>>
        %dma_start3A_171 = tpu.memref_slice %arg2[%add3A_35] : memref<819200xi32, #tpu.memory_space<hbm>> -> memref<1024xi32, #tpu.memory_space<hbm>>
        tpu.enqueue_dma source(%dma_start3A_171 : memref<1024xi32, #tpu.memory_space<hbm>>) target(%arg6 : memref<1024xi32, #tpu.memory_space<vmem>>) target_semaphore(%run_scoped3A : memref<!tpu.dma_semaphore, #tpu.memory_space<semaphore_mem>>)
        %dma_wait3A_172 = tpu.memref_slice %arg2[%add3A_35] : memref<819200xi32, #tpu.memory_space<hbm>> -> memref<1024xi32, #tpu.memory_space<hbm>>
        %dma_wait3A_173 = tpu.memref_slice %arg2[%add3A_35] : memref<819200xi32, #tpu.memory_space<hbm>> -> memref<1024xi32, #tpu.memory_space<hbm>>
        tpu.wait_dma2 semaphore(%run_scoped3A : memref<!tpu.dma_semaphore, #tpu.memory_space<semaphore_mem>>) src(%dma_wait3A_173 : memref<1024xi32, #tpu.memory_space<hbm>>) dst(%arg6 : memref<1024xi32, #tpu.memory_space<vmem>>)
        tpu.yield
      }) : () -> ()
      %dma_start3A = arith.constant 0 : i32
      %dma_start3A_36 = arith.constant 0 : i32
      %dma_start3A_37 = tpu.memref_slice %arg7[%dma_start3A, %dma_start3A_36] : memref<1024x64xf32, #tpu.memory_space<vmem>> -> memref<128x64xf32, #tpu.memory_space<vmem>>
      %dma_start3A_38 = arith.constant 0 : i32
      %dma_start3A_39 = tpu.memref_slice %arg6[%dma_start3A_38] : memref<1024xi32, #tpu.memory_space<vmem>> -> memref<128xi32, #tpu.memory_space<vmem>>
      %dma_start3A_40 = arith.constant 0 : i32
      %dma_start3A_41 = arith.constant 0 : i32
      %dma_start3A_42 = tpu.memref_slice %arg3[%dma_start3A_40, %dma_start3A_41] : memref<1000000x64xf32, #tpu.memory_space<hbm>> -> memref<1000000x64xf32, #tpu.memory_space<hbm>>
      tpu.enqueue_indirect_dma source(%dma_start3A_42 : memref<1000000x64xf32, #tpu.memory_space<hbm>>) target(%dma_start3A_37 : memref<128x64xf32, #tpu.memory_space<vmem>>) offsets(%dma_start3A_39 : memref<128xi32, #tpu.memory_space<vmem>>) semaphore(%arg9 : memref<!tpu.dma_semaphore, #tpu.memory_space<semaphore_mem>>)
      %dma_start3A_43 = arith.constant 128 : i32
      %dma_start3A_44 = arith.constant 0 : i32
      %dma_start3A_45 = tpu.memref_slice %arg7[%dma_start3A_43, %dma_start3A_44] : memref<1024x64xf32, #tpu.memory_space<vmem>> -> memref<128x64xf32, #tpu.memory_space<vmem>>
      %dma_start3A_46 = arith.constant 128 : i32
      %dma_start3A_47 = tpu.memref_slice %arg6[%dma_start3A_46] : memref<1024xi32, #tpu.memory_space<vmem>> -> memref<128xi32, #tpu.memory_space<vmem>>
      %dma_start3A_48 = arith.constant 0 : i32
      %dma_start3A_49 = arith.constant 0 : i32
      %dma_start3A_50 = tpu.memref_slice %arg3[%dma_start3A_48, %dma_start3A_49] : memref<1000000x64xf32, #tpu.memory_space<hbm>> -> memref<1000000x64xf32, #tpu.memory_space<hbm>>
      tpu.enqueue_indirect_dma source(%dma_start3A_50 : memref<1000000x64xf32, #tpu.memory_space<hbm>>) target(%dma_start3A_45 : memref<128x64xf32, #tpu.memory_space<vmem>>) offsets(%dma_start3A_47 : memref<128xi32, #tpu.memory_space<vmem>>) semaphore(%arg9 : memref<!tpu.dma_semaphore, #tpu.memory_space<semaphore_mem>>)
      %dma_start3A_51 = arith.constant 256 : i32
      %dma_start3A_52 = arith.constant 0 : i32
      %dma_start3A_53 = tpu.memref_slice %arg7[%dma_start3A_51, %dma_start3A_52] : memref<1024x64xf32, #tpu.memory_space<vmem>> -> memref<128x64xf32, #tpu.memory_space<vmem>>
      %dma_start3A_54 = arith.constant 256 : i32
      %dma_start3A_55 = tpu.memref_slice %arg6[%dma_start3A_54] : memref<1024xi32, #tpu.memory_space<vmem>> -> memref<128xi32, #tpu.memory_space<vmem>>
      %dma_start3A_56 = arith.constant 0 : i32
      %dma_start3A_57 = arith.constant 0 : i32
      %dma_start3A_58 = tpu.memref_slice %arg3[%dma_start3A_56, %dma_start3A_57] : memref<1000000x64xf32, #tpu.memory_space<hbm>> -> memref<1000000x64xf32, #tpu.memory_space<hbm>>
      tpu.enqueue_indirect_dma source(%dma_start3A_58 : memref<1000000x64xf32, #tpu.memory_space<hbm>>) target(%dma_start3A_53 : memref<128x64xf32, #tpu.memory_space<vmem>>) offsets(%dma_start3A_55 : memref<128xi32, #tpu.memory_space<vmem>>) semaphore(%arg9 : memref<!tpu.dma_semaphore, #tpu.memory_space<semaphore_mem>>)
      %dma_start3A_59 = arith.constant 384 : i32
      %dma_start3A_60 = arith.constant 0 : i32
      %dma_start3A_61 = tpu.memref_slice %arg7[%dma_start3A_59, %dma_start3A_60] : memref<1024x64xf32, #tpu.memory_space<vmem>> -> memref<128x64xf32, #tpu.memory_space<vmem>>
      %dma_start3A_62 = arith.constant 384 : i32
      %dma_start3A_63 = tpu.memref_slice %arg6[%dma_start3A_62] : memref<1024xi32, #tpu.memory_space<vmem>> -> memref<128xi32, #tpu.memory_space<vmem>>
      %dma_start3A_64 = arith.constant 0 : i32
      %dma_start3A_65 = arith.constant 0 : i32
      %dma_start3A_66 = tpu.memref_slice %arg3[%dma_start3A_64, %dma_start3A_65] : memref<1000000x64xf32, #tpu.memory_space<hbm>> -> memref<1000000x64xf32, #tpu.memory_space<hbm>>
      tpu.enqueue_indirect_dma source(%dma_start3A_66 : memref<1000000x64xf32, #tpu.memory_space<hbm>>) target(%dma_start3A_61 : memref<128x64xf32, #tpu.memory_space<vmem>>) offsets(%dma_start3A_63 : memref<128xi32, #tpu.memory_space<vmem>>) semaphore(%arg9 : memref<!tpu.dma_semaphore, #tpu.memory_space<semaphore_mem>>)
      %dma_start3A_67 = arith.constant 512 : i32
      %dma_start3A_68 = arith.constant 0 : i32
      %dma_start3A_69 = tpu.memref_slice %arg7[%dma_start3A_67, %dma_start3A_68] : memref<1024x64xf32, #tpu.memory_space<vmem>> -> memref<128x64xf32, #tpu.memory_space<vmem>>
      %dma_start3A_70 = arith.constant 512 : i32
      %dma_start3A_71 = tpu.memref_slice %arg6[%dma_start3A_70] : memref<1024xi32, #tpu.memory_space<vmem>> -> memref<128xi32, #tpu.memory_space<vmem>>
      %dma_start3A_72 = arith.constant 0 : i32
      %dma_start3A_73 = arith.constant 0 : i32
      %dma_start3A_74 = tpu.memref_slice %arg3[%dma_start3A_72, %dma_start3A_73] : memref<1000000x64xf32, #tpu.memory_space<hbm>> -> memref<1000000x64xf32, #tpu.memory_space<hbm>>
      tpu.enqueue_indirect_dma source(%dma_start3A_74 : memref<1000000x64xf32, #tpu.memory_space<hbm>>) target(%dma_start3A_69 : memref<128x64xf32, #tpu.memory_space<vmem>>) offsets(%dma_start3A_71 : memref<128xi32, #tpu.memory_space<vmem>>) semaphore(%arg9 : memref<!tpu.dma_semaphore, #tpu.memory_space<semaphore_mem>>)
      %dma_start3A_75 = arith.constant 640 : i32
      %dma_start3A_76 = arith.constant 0 : i32
      %dma_start3A_77 = tpu.memref_slice %arg7[%dma_start3A_75, %dma_start3A_76] : memref<1024x64xf32, #tpu.memory_space<vmem>> -> memref<128x64xf32, #tpu.memory_space<vmem>>
      %dma_start3A_78 = arith.constant 640 : i32
      %dma_start3A_79 = tpu.memref_slice %arg6[%dma_start3A_78] : memref<1024xi32, #tpu.memory_space<vmem>> -> memref<128xi32, #tpu.memory_space<vmem>>
      %dma_start3A_80 = arith.constant 0 : i32
      %dma_start3A_81 = arith.constant 0 : i32
      %dma_start3A_82 = tpu.memref_slice %arg3[%dma_start3A_80, %dma_start3A_81] : memref<1000000x64xf32, #tpu.memory_space<hbm>> -> memref<1000000x64xf32, #tpu.memory_space<hbm>>
      tpu.enqueue_indirect_dma source(%dma_start3A_82 : memref<1000000x64xf32, #tpu.memory_space<hbm>>) target(%dma_start3A_77 : memref<128x64xf32, #tpu.memory_space<vmem>>) offsets(%dma_start3A_79 : memref<128xi32, #tpu.memory_space<vmem>>) semaphore(%arg9 : memref<!tpu.dma_semaphore, #tpu.memory_space<semaphore_mem>>)
      %dma_start3A_83 = arith.constant 768 : i32
      %dma_start3A_84 = arith.constant 0 : i32
      %dma_start3A_85 = tpu.memref_slice %arg7[%dma_start3A_83, %dma_start3A_84] : memref<1024x64xf32, #tpu.memory_space<vmem>> -> memref<128x64xf32, #tpu.memory_space<vmem>>
      %dma_start3A_86 = arith.constant 768 : i32
      %dma_start3A_87 = tpu.memref_slice %arg6[%dma_start3A_86] : memref<1024xi32, #tpu.memory_space<vmem>> -> memref<128xi32, #tpu.memory_space<vmem>>
      %dma_start3A_88 = arith.constant 0 : i32
      %dma_start3A_89 = arith.constant 0 : i32
      %dma_start3A_90 = tpu.memref_slice %arg3[%dma_start3A_88, %dma_start3A_89] : memref<1000000x64xf32, #tpu.memory_space<hbm>> -> memref<1000000x64xf32, #tpu.memory_space<hbm>>
      tpu.enqueue_indirect_dma source(%dma_start3A_90 : memref<1000000x64xf32, #tpu.memory_space<hbm>>) target(%dma_start3A_85 : memref<128x64xf32, #tpu.memory_space<vmem>>) offsets(%dma_start3A_87 : memref<128xi32, #tpu.memory_space<vmem>>) semaphore(%arg9 : memref<!tpu.dma_semaphore, #tpu.memory_space<semaphore_mem>>)
      %dma_start3A_91 = arith.constant 896 : i32
      %dma_start3A_92 = arith.constant 0 : i32
      %dma_start3A_93 = tpu.memref_slice %arg7[%dma_start3A_91, %dma_start3A_92] : memref<1024x64xf32, #tpu.memory_space<vmem>> -> memref<128x64xf32, #tpu.memory_space<vmem>>
      %dma_start3A_94 = arith.constant 896 : i32
      %dma_start3A_95 = tpu.memref_slice %arg6[%dma_start3A_94] : memref<1024xi32, #tpu.memory_space<vmem>> -> memref<128xi32, #tpu.memory_space<vmem>>
      %dma_start3A_96 = arith.constant 0 : i32
      %dma_start3A_97 = arith.constant 0 : i32
      %dma_start3A_98 = tpu.memref_slice %arg3[%dma_start3A_96, %dma_start3A_97] : memref<1000000x64xf32, #tpu.memory_space<hbm>> -> memref<1000000x64xf32, #tpu.memory_space<hbm>>
      tpu.enqueue_indirect_dma source(%dma_start3A_98 : memref<1000000x64xf32, #tpu.memory_space<hbm>>) target(%dma_start3A_93 : memref<128x64xf32, #tpu.memory_space<vmem>>) offsets(%dma_start3A_95 : memref<128xi32, #tpu.memory_space<vmem>>) semaphore(%arg9 : memref<!tpu.dma_semaphore, #tpu.memory_space<semaphore_mem>>)
      %dma_wait3A = arith.constant 0 : i32
      %dma_wait3A_99 = arith.constant 0 : i32
      %dma_wait3A_100 = tpu.memref_slice %arg7[%dma_wait3A, %dma_wait3A_99] : memref<1024x64xf32, #tpu.memory_space<vmem>> -> memref<128x64xf32, #tpu.memory_space<vmem>>
      %dma_wait3A_101 = arith.constant 0 : i32
      %dma_wait3A_102 = tpu.memref_slice %arg6[%dma_wait3A_101] : memref<1024xi32, #tpu.memory_space<vmem>> -> memref<128xi32, #tpu.memory_space<vmem>>
      %dma_wait3A_103 = arith.constant 0 : i32
      %dma_wait3A_104 = arith.constant 0 : i32
      %dma_wait3A_105 = tpu.memref_slice %arg3[%dma_wait3A_103, %dma_wait3A_104] : memref<1000000x64xf32, #tpu.memory_space<hbm>> -> memref<1000000x64xf32, #tpu.memory_space<hbm>>
      tpu.wait_indirect_dma semaphore(%arg9 : memref<!tpu.dma_semaphore, #tpu.memory_space<semaphore_mem>>) src(%dma_wait3A_105 : memref<1000000x64xf32, #tpu.memory_space<hbm>>) dst(%dma_wait3A_100 : memref<128x64xf32, #tpu.memory_space<vmem>>)
      %dma_wait3A_106 = arith.constant 128 : i32
      %dma_wait3A_107 = arith.constant 0 : i32
      %dma_wait3A_108 = tpu.memref_slice %arg7[%dma_wait3A_106, %dma_wait3A_107] : memref<1024x64xf32, #tpu.memory_space<vmem>> -> memref<128x64xf32, #tpu.memory_space<vmem>>
      %dma_wait3A_109 = arith.constant 128 : i32
      %dma_wait3A_110 = tpu.memref_slice %arg6[%dma_wait3A_109] : memref<1024xi32, #tpu.memory_space<vmem>> -> memref<128xi32, #tpu.memory_space<vmem>>
      %dma_wait3A_111 = arith.constant 0 : i32
      %dma_wait3A_112 = arith.constant 0 : i32
      %dma_wait3A_113 = tpu.memref_slice %arg3[%dma_wait3A_111, %dma_wait3A_112] : memref<1000000x64xf32, #tpu.memory_space<hbm>> -> memref<1000000x64xf32, #tpu.memory_space<hbm>>
      tpu.wait_indirect_dma semaphore(%arg9 : memref<!tpu.dma_semaphore, #tpu.memory_space<semaphore_mem>>) src(%dma_wait3A_113 : memref<1000000x64xf32, #tpu.memory_space<hbm>>) dst(%dma_wait3A_108 : memref<128x64xf32, #tpu.memory_space<vmem>>)
      %dma_wait3A_114 = arith.constant 256 : i32
      %dma_wait3A_115 = arith.constant 0 : i32
      %dma_wait3A_116 = tpu.memref_slice %arg7[%dma_wait3A_114, %dma_wait3A_115] : memref<1024x64xf32, #tpu.memory_space<vmem>> -> memref<128x64xf32, #tpu.memory_space<vmem>>
      %dma_wait3A_117 = arith.constant 256 : i32
      %dma_wait3A_118 = tpu.memref_slice %arg6[%dma_wait3A_117] : memref<1024xi32, #tpu.memory_space<vmem>> -> memref<128xi32, #tpu.memory_space<vmem>>
      %dma_wait3A_119 = arith.constant 0 : i32
      %dma_wait3A_120 = arith.constant 0 : i32
      %dma_wait3A_121 = tpu.memref_slice %arg3[%dma_wait3A_119, %dma_wait3A_120] : memref<1000000x64xf32, #tpu.memory_space<hbm>> -> memref<1000000x64xf32, #tpu.memory_space<hbm>>
      tpu.wait_indirect_dma semaphore(%arg9 : memref<!tpu.dma_semaphore, #tpu.memory_space<semaphore_mem>>) src(%dma_wait3A_121 : memref<1000000x64xf32, #tpu.memory_space<hbm>>) dst(%dma_wait3A_116 : memref<128x64xf32, #tpu.memory_space<vmem>>)
      %dma_wait3A_122 = arith.constant 384 : i32
      %dma_wait3A_123 = arith.constant 0 : i32
      %dma_wait3A_124 = tpu.memref_slice %arg7[%dma_wait3A_122, %dma_wait3A_123] : memref<1024x64xf32, #tpu.memory_space<vmem>> -> memref<128x64xf32, #tpu.memory_space<vmem>>
      %dma_wait3A_125 = arith.constant 384 : i32
      %dma_wait3A_126 = tpu.memref_slice %arg6[%dma_wait3A_125] : memref<1024xi32, #tpu.memory_space<vmem>> -> memref<128xi32, #tpu.memory_space<vmem>>
      %dma_wait3A_127 = arith.constant 0 : i32
      %dma_wait3A_128 = arith.constant 0 : i32
      %dma_wait3A_129 = tpu.memref_slice %arg3[%dma_wait3A_127, %dma_wait3A_128] : memref<1000000x64xf32, #tpu.memory_space<hbm>> -> memref<1000000x64xf32, #tpu.memory_space<hbm>>
      tpu.wait_indirect_dma semaphore(%arg9 : memref<!tpu.dma_semaphore, #tpu.memory_space<semaphore_mem>>) src(%dma_wait3A_129 : memref<1000000x64xf32, #tpu.memory_space<hbm>>) dst(%dma_wait3A_124 : memref<128x64xf32, #tpu.memory_space<vmem>>)
      %dma_wait3A_130 = arith.constant 512 : i32
      %dma_wait3A_131 = arith.constant 0 : i32
      %dma_wait3A_132 = tpu.memref_slice %arg7[%dma_wait3A_130, %dma_wait3A_131] : memref<1024x64xf32, #tpu.memory_space<vmem>> -> memref<128x64xf32, #tpu.memory_space<vmem>>
      %dma_wait3A_133 = arith.constant 512 : i32
      %dma_wait3A_134 = tpu.memref_slice %arg6[%dma_wait3A_133] : memref<1024xi32, #tpu.memory_space<vmem>> -> memref<128xi32, #tpu.memory_space<vmem>>
      %dma_wait3A_135 = arith.constant 0 : i32
      %dma_wait3A_136 = arith.constant 0 : i32
      %dma_wait3A_137 = tpu.memref_slice %arg3[%dma_wait3A_135, %dma_wait3A_136] : memref<1000000x64xf32, #tpu.memory_space<hbm>> -> memref<1000000x64xf32, #tpu.memory_space<hbm>>
      tpu.wait_indirect_dma semaphore(%arg9 : memref<!tpu.dma_semaphore, #tpu.memory_space<semaphore_mem>>) src(%dma_wait3A_137 : memref<1000000x64xf32, #tpu.memory_space<hbm>>) dst(%dma_wait3A_132 : memref<128x64xf32, #tpu.memory_space<vmem>>)
      %dma_wait3A_138 = arith.constant 640 : i32
      %dma_wait3A_139 = arith.constant 0 : i32
      %dma_wait3A_140 = tpu.memref_slice %arg7[%dma_wait3A_138, %dma_wait3A_139] : memref<1024x64xf32, #tpu.memory_space<vmem>> -> memref<128x64xf32, #tpu.memory_space<vmem>>
      %dma_wait3A_141 = arith.constant 640 : i32
      %dma_wait3A_142 = tpu.memref_slice %arg6[%dma_wait3A_141] : memref<1024xi32, #tpu.memory_space<vmem>> -> memref<128xi32, #tpu.memory_space<vmem>>
      %dma_wait3A_143 = arith.constant 0 : i32
      %dma_wait3A_144 = arith.constant 0 : i32
      %dma_wait3A_145 = tpu.memref_slice %arg3[%dma_wait3A_143, %dma_wait3A_144] : memref<1000000x64xf32, #tpu.memory_space<hbm>> -> memref<1000000x64xf32, #tpu.memory_space<hbm>>
      tpu.wait_indirect_dma semaphore(%arg9 : memref<!tpu.dma_semaphore, #tpu.memory_space<semaphore_mem>>) src(%dma_wait3A_145 : memref<1000000x64xf32, #tpu.memory_space<hbm>>) dst(%dma_wait3A_140 : memref<128x64xf32, #tpu.memory_space<vmem>>)
      %dma_wait3A_146 = arith.constant 768 : i32
      %dma_wait3A_147 = arith.constant 0 : i32
      %dma_wait3A_148 = tpu.memref_slice %arg7[%dma_wait3A_146, %dma_wait3A_147] : memref<1024x64xf32, #tpu.memory_space<vmem>> -> memref<128x64xf32, #tpu.memory_space<vmem>>
      %dma_wait3A_149 = arith.constant 768 : i32
      %dma_wait3A_150 = tpu.memref_slice %arg6[%dma_wait3A_149] : memref<1024xi32, #tpu.memory_space<vmem>> -> memref<128xi32, #tpu.memory_space<vmem>>
      %dma_wait3A_151 = arith.constant 0 : i32
      %dma_wait3A_152 = arith.constant 0 : i32
      %dma_wait3A_153 = tpu.memref_slice %arg3[%dma_wait3A_151, %dma_wait3A_152] : memref<1000000x64xf32, #tpu.memory_space<hbm>> -> memref<1000000x64xf32, #tpu.memory_space<hbm>>
      tpu.wait_indirect_dma semaphore(%arg9 : memref<!tpu.dma_semaphore, #tpu.memory_space<semaphore_mem>>) src(%dma_wait3A_153 : memref<1000000x64xf32, #tpu.memory_space<hbm>>) dst(%dma_wait3A_148 : memref<128x64xf32, #tpu.memory_space<vmem>>)
      %dma_wait3A_154 = arith.constant 896 : i32
      %dma_wait3A_155 = arith.constant 0 : i32
      %dma_wait3A_156 = tpu.memref_slice %arg7[%dma_wait3A_154, %dma_wait3A_155] : memref<1024x64xf32, #tpu.memory_space<vmem>> -> memref<128x64xf32, #tpu.memory_space<vmem>>
      %dma_wait3A_157 = arith.constant 896 : i32
      %dma_wait3A_158 = tpu.memref_slice %arg6[%dma_wait3A_157] : memref<1024xi32, #tpu.memory_space<vmem>> -> memref<128xi32, #tpu.memory_space<vmem>>
      %dma_wait3A_159 = arith.constant 0 : i32
      %dma_wait3A_160 = arith.constant 0 : i32
      %dma_wait3A_161 = tpu.memref_slice %arg3[%dma_wait3A_159, %dma_wait3A_160] : memref<1000000x64xf32, #tpu.memory_space<hbm>> -> memref<1000000x64xf32, #tpu.memory_space<hbm>>
      tpu.wait_indirect_dma semaphore(%arg9 : memref<!tpu.dma_semaphore, #tpu.memory_space<semaphore_mem>>) src(%dma_wait3A_161 : memref<1000000x64xf32, #tpu.memory_space<hbm>>) dst(%dma_wait3A_156 : memref<128x64xf32, #tpu.memory_space<vmem>>)
      %scan3A_162 = arith.constant 0 : i32
      %scan3A_163 = arith.constant 0 : i32
      %scan3A_164 = arith.constant 1024 : i32
      %scan3A_165 = arith.addi %scan3A_163, %scan3A_164 : i32
      %scan3A_166 = arith.constant 1 : i32
      %scan3A_167 = scf.for %scan3A_170 = %scan3A_163 to %scan3A_165 step %scan3A_166 iter_args(%scan3A_171 = %scan3A_162) -> (i32)  : i32 {
        %get3A_172 = arith.index_cast %scan3A_170 : i32 to index
        %get3A_173 = arith.constant 0 : index
        %get3A_174 = tpu.vector_load %arg7[%get3A_172, %get3A_173] {strides = array<i32>} : memref<1024x64xf32, #tpu.memory_space<vmem>>, vector<1x16xf32>,
        %get3A_175 = vector.shape_cast %get3A_174 : vector<1x16xf32> to vector<16xf32>
        %get3A_176 = arith.index_cast %scan3A_170 : i32 to index
        %get3A_177 = arith.constant 16 : index
        %get3A_178 = tpu.vector_load %arg7[%get3A_176, %get3A_177] {strides = array<i32>} : memref<1024x64xf32, #tpu.memory_space<vmem>>, vector<1x16xf32>,
        %get3A_179 = vector.shape_cast %get3A_178 : vector<1x16xf32> to vector<16xf32>
        %get3A_180 = arith.index_cast %scan3A_170 : i32 to index
        %get3A_181 = arith.constant 32 : index
        %get3A_182 = tpu.vector_load %arg7[%get3A_180, %get3A_181] {strides = array<i32>} : memref<1024x64xf32, #tpu.memory_space<vmem>>, vector<1x16xf32>,
        %get3A_183 = vector.shape_cast %get3A_182 : vector<1x16xf32> to vector<16xf32>
        %get3A_184 = arith.index_cast %scan3A_170 : i32 to index
        %get3A_185 = arith.constant 48 : index
        %get3A_186 = tpu.vector_load %arg7[%get3A_184, %get3A_185] {strides = array<i32>} : memref<1024x64xf32, #tpu.memory_space<vmem>>, vector<1x16xf32>,
        %get3A_187 = vector.shape_cast %get3A_186 : vector<1x16xf32> to vector<16xf32>
        %mul3A_188 = arith.mulf %get3A_175, %get3A_175 : vector<16xf32>
        %mul3A_189 = arith.mulf %get3A_179, %get3A_179 : vector<16xf32>
        %add3A_190 = arith.addf %mul3A_188, %mul3A_189 : vector<16xf32>
        %mul3A_191 = arith.mulf %get3A_183, %get3A_183 : vector<16xf32>
        %add3A_192 = arith.addf %add3A_190, %mul3A_191 : vector<16xf32>
        %mul3A_193 = arith.mulf %get3A_187, %get3A_187 : vector<16xf32>
        %add3A_194 = arith.addf %add3A_192, %mul3A_193 : vector<16xf32>
        %broadcast_in_dim3A = vector.shape_cast %xor3A_15 : vector<16xi32> to vector<16x1xi32>
        %gather3A = vector.shape_cast %broadcast_in_dim3A : vector<16x1xi32> to vector<16xi32>
        %gather3A_195 = tpu.dynamic_gather %add3A_194[%gather3A] in [0] : vector<16xf32>, vector<16xi32> -> vector<16xf32>
        %add3A_196 = arith.addf %add3A_194, %gather3A_195 : vector<16xf32>
        %broadcast_in_dim3A_197 = vector.shape_cast %xor3A_18 : vector<16xi32> to vector<16x1xi32>
        %gather3A_198 = vector.shape_cast %broadcast_in_dim3A_197 : vector<16x1xi32> to vector<16xi32>
        %gather3A_199 = tpu.dynamic_gather %add3A_196[%gather3A_198] in [0] : vector<16xf32>, vector<16xi32> -> vector<16xf32>
        %add3A_200 = arith.addf %add3A_196, %gather3A_199 : vector<16xf32>
        %broadcast_in_dim3A_201 = vector.shape_cast %xor3A_21 : vector<16xi32> to vector<16x1xi32>
        %gather3A_202 = vector.shape_cast %broadcast_in_dim3A_201 : vector<16x1xi32> to vector<16xi32>
        %gather3A_203 = tpu.dynamic_gather %add3A_200[%gather3A_202] in [0] : vector<16xf32>, vector<16xi32> -> vector<16xf32>
        %add3A_204 = arith.addf %add3A_200, %gather3A_203 : vector<16xf32>
        %broadcast_in_dim3A_205 = vector.shape_cast %xor3A_24 : vector<16xi32> to vector<16x1xi32>
        %gather3A_206 = vector.shape_cast %broadcast_in_dim3A_205 : vector<16x1xi32> to vector<16xi32>
        %gather3A_207 = tpu.dynamic_gather %add3A_204[%gather3A_206] in [0] : vector<16xf32>, vector<16xi32> -> vector<16xf32>
        %add3A_208 = arith.addf %add3A_204, %gather3A_207 : vector<16xf32>
        %mul3A_209 = arith.constant 1.562500e-02 : f32
        %mul3A_210 = vector.broadcast %mul3A_209 : f32 to vector<16xf32>
        %mul3A_211 = arith.mulf %add3A_208, %mul3A_210 : vector<16xf32>
        %add3A_212 = arith.constant 9.99999997E-7 : f32
        %add3A_213 = vector.broadcast %add3A_212 : f32 to vector<16xf32>
        %add3A_214 = arith.addf %mul3A_211, %add3A_213 : vector<16xf32>
        %broadcast_in_dim3A_215 = arith.constant 1.000000e+00 : f32
        %broadcast_in_dim3A_216 = vector.broadcast %broadcast_in_dim3A_215 : f32 to vector<16xf32>
        %div3A = arith.divf %add3A_214, %broadcast_in_dim3A_216 : vector<16xf32>
        %add3A_217 = arith.addf %broadcast_in_dim3A_216, %div3A : vector<16xf32>
        %mul3A_218 = arith.constant 5.000000e-01 : f32
        %mul3A_219 = vector.broadcast %mul3A_218 : f32 to vector<16xf32>
        %mul3A_220 = arith.mulf %mul3A_219, %add3A_217 : vector<16xf32>
        %div3A_221 = arith.divf %add3A_214, %mul3A_220 : vector<16xf32>
        %add3A_222 = arith.addf %mul3A_220, %div3A_221 : vector<16xf32>
        %mul3A_223 = arith.constant 5.000000e-01 : f32
        %mul3A_224 = vector.broadcast %mul3A_223 : f32 to vector<16xf32>
        %mul3A_225 = arith.mulf %mul3A_224, %add3A_222 : vector<16xf32>
        %div3A_226 = arith.divf %add3A_214, %mul3A_225 : vector<16xf32>
        %add3A_227 = arith.addf %mul3A_225, %div3A_226 : vector<16xf32>
        %mul3A_228 = arith.constant 5.000000e-01 : f32
        %mul3A_229 = vector.broadcast %mul3A_228 : f32 to vector<16xf32>
        %mul3A_230 = arith.mulf %mul3A_229, %add3A_227 : vector<16xf32>
        %div3A_231 = arith.divf %add3A_214, %mul3A_230 : vector<16xf32>
        %add3A_232 = arith.addf %mul3A_230, %div3A_231 : vector<16xf32>
        %mul3A_233 = arith.constant 5.000000e-01 : f32
        %mul3A_234 = vector.broadcast %mul3A_233 : f32 to vector<16xf32>
        %mul3A_235 = arith.mulf %mul3A_234, %add3A_232 : vector<16xf32>
        %div3A_236 = arith.divf %add3A_214, %mul3A_235 : vector<16xf32>
        %add3A_237 = arith.addf %mul3A_235, %div3A_236 : vector<16xf32>
        %mul3A_238 = arith.constant 5.000000e-01 : f32
        %mul3A_239 = vector.broadcast %mul3A_238 : f32 to vector<16xf32>
        %mul3A_240 = arith.mulf %mul3A_239, %add3A_237 : vector<16xf32>
        %div3A_241 = arith.divf %add3A_214, %mul3A_240 : vector<16xf32>
        %add3A_242 = arith.addf %mul3A_240, %div3A_241 : vector<16xf32>
        %mul3A_243 = arith.constant 5.000000e-01 : f32
        %mul3A_244 = vector.broadcast %mul3A_243 : f32 to vector<16xf32>
        %mul3A_245 = arith.mulf %mul3A_244, %add3A_242 : vector<16xf32>
        %div3A_246 = arith.constant 1.000000e+00 : f32
        %div3A_247 = vector.broadcast %div3A_246 : f32 to vector<16xf32>
        %div3A_248 = arith.divf %div3A_247, %mul3A_245 : vector<16xf32>
        %mul3A_249 = arith.mulf %get3A_175, %div3A_248 : vector<16xf32>
        %mul3A_250 = arith.mulf %mul3A_249, %get3A_4 : vector<16xf32>
        %swap3A = arith.index_cast %scan3A_170 : i32 to index
        %swap3A_251 = arith.constant 0 : index
        %swap3A_252 = tpu.vector_load %arg7[%swap3A, %swap3A_251] {strides = array<i32>} : memref<1024x64xf32, #tpu.memory_space<vmem>>, vector<1x16xf32>,
        %swap3A_253 = vector.shape_cast %swap3A_252 : vector<1x16xf32> to vector<16xf32>
        %swap3A_254 = vector.shape_cast %mul3A_250 : vector<16xf32> to vector<1x16xf32>
        tpu.vector_store %arg7[%swap3A, %swap3A_251], %swap3A_254 {strides = array<i32>} : memref<1024x64xf32, #tpu.memory_space<vmem>>, vector<1x16xf32>,
        %mul3A_255 = arith.mulf %get3A_179, %div3A_248 : vector<16xf32>
        %mul3A_256 = arith.mulf %mul3A_255, %get3A_7 : vector<16xf32>
        %swap3A_257 = arith.index_cast %scan3A_170 : i32 to index
        %swap3A_258 = arith.constant 16 : index
        %swap3A_259 = tpu.vector_load %arg7[%swap3A_257, %swap3A_258] {strides = array<i32>} : memref<1024x64xf32, #tpu.memory_space<vmem>>, vector<1x16xf32>,
        %swap3A_260 = vector.shape_cast %swap3A_259 : vector<1x16xf32> to vector<16xf32>
        %swap3A_261 = vector.shape_cast %mul3A_256 : vector<16xf32> to vector<1x16xf32>
        tpu.vector_store %arg7[%swap3A_257, %swap3A_258], %swap3A_261 {strides = array<i32>} : memref<1024x64xf32, #tpu.memory_space<vmem>>, vector<1x16xf32>,
        %mul3A_262 = arith.mulf %get3A_183, %div3A_248 : vector<16xf32>
        %mul3A_263 = arith.mulf %mul3A_262, %get3A_10 : vector<16xf32>
        %swap3A_264 = arith.index_cast %scan3A_170 : i32 to index
        %swap3A_265 = arith.constant 32 : index
        %swap3A_266 = tpu.vector_load %arg7[%swap3A_264, %swap3A_265] {strides = array<i32>} : memref<1024x64xf32, #tpu.memory_space<vmem>>, vector<1x16xf32>,
        %swap3A_267 = vector.shape_cast %swap3A_266 : vector<1x16xf32> to vector<16xf32>
        %swap3A_268 = vector.shape_cast %mul3A_263 : vector<16xf32> to vector<1x16xf32>
        tpu.vector_store %arg7[%swap3A_264, %swap3A_265], %swap3A_268 {strides = array<i32>} : memref<1024x64xf32, #tpu.memory_space<vmem>>, vector<1x16xf32>,
        %mul3A_269 = arith.mulf %get3A_187, %div3A_248 : vector<16xf32>
        %mul3A_270 = arith.mulf %mul3A_269, %get3A_13 : vector<16xf32>
        %swap3A_271 = arith.index_cast %scan3A_170 : i32 to index
        %swap3A_272 = arith.constant 48 : index
        %swap3A_273 = tpu.vector_load %arg7[%swap3A_271, %swap3A_272] {strides = array<i32>} : memref<1024x64xf32, #tpu.memory_space<vmem>>, vector<1x16xf32>,
        %swap3A_274 = vector.shape_cast %swap3A_273 : vector<1x16xf32> to vector<16xf32>
        %swap3A_275 = vector.shape_cast %mul3A_270 : vector<16xf32> to vector<1x16xf32>
        tpu.vector_store %arg7[%swap3A_271, %swap3A_272], %swap3A_275 {strides = array<i32>} : memref<1024x64xf32, #tpu.memory_space<vmem>>, vector<1x16xf32>,
        %scan3A_276 = arith.constant 0 : i32
        scf.yield %scan3A_276 : i32
      }
      %scan3A_168 = arith.constant 1024 : i32
      "tpu.region"() ({
        %run_scoped3A = tpu.sem_alloc : memref<!tpu.dma_semaphore, #tpu.memory_space<semaphore_mem>>
        %dma_start3A_170 = arith.constant 0 : i32
        %dma_start3A_171 = tpu.memref_slice %arg5[%add3A_35, %dma_start3A_170] : memref<819200x64xf32, #tpu.memory_space<hbm>> -> memref<1024x64xf32, #tpu.memory_space<hbm>>
        %dma_start3A_172 = arith.constant 0 : i32
        %dma_start3A_173 = tpu.memref_slice %arg5[%add3A_35, %dma_start3A_172] : memref<819200x64xf32, #tpu.memory_space<hbm>> -> memref<1024x64xf32, #tpu.memory_space<hbm>>
        tpu.enqueue_dma source(%arg7 : memref<1024x64xf32, #tpu.memory_space<vmem>>) target(%dma_start3A_173 : memref<1024x64xf32, #tpu.memory_space<hbm>>) target_semaphore(%run_scoped3A : memref<!tpu.dma_semaphore, #tpu.memory_space<semaphore_mem>>)
        %dma_wait3A_174 = arith.constant 0 : i32
        %dma_wait3A_175 = tpu.memref_slice %arg5[%add3A_35, %dma_wait3A_174] : memref<819200x64xf32, #tpu.memory_space<hbm>> -> memref<1024x64xf32, #tpu.memory_space<hbm>>
        %dma_wait3A_176 = arith.constant 0 : i32
        %dma_wait3A_177 = tpu.memref_slice %arg5[%add3A_35, %dma_wait3A_176] : memref<819200x64xf32, #tpu.memory_space<hbm>> -> memref<1024x64xf32, #tpu.memory_space<hbm>>
        tpu.wait_dma2 semaphore(%run_scoped3A : memref<!tpu.dma_semaphore, #tpu.memory_space<semaphore_mem>>) src(%arg7 : memref<1024x64xf32, #tpu.memory_space<vmem>>) dst(%dma_wait3A_177 : memref<1024x64xf32, #tpu.memory_space<hbm>>)
        tpu.yield
      }) : () -> ()
      %scan3A_169 = arith.constant 0 : i32
      scf.yield %scan3A_169 : i32
    }
    %scan3A_30 = arith.constant 25 : i32
    return
  }
}

</mosaic_0001>

<sc_bundles>
// kernel: kernel.3.cloned.1.call-start
scs
__scs_entry_jumppad:
0x0: {  	(pc) =	sbr.rel $0x88, $3  }
0x1: {  	(tag) =	ssettag $0x0;
	lr =	simm.s32 $0x1  }
0x2: {  	[smem:$0x3F9E] =	sst lr;
	_ =	strace $0xD0000000  }
0x3: {  	_ = 	snop  }
0x4: {  	_ = 	snop  }
0x5: {  	_ = 	snop  }
0x6: {  	_ = 	snop  }
0x7: {  	_ = 	snop  }
__scs_overlays_trampoline_lowered:
0x8: {  	[smem:$0x3FAD] =	sst s0  }
0x9: {  	[smem:$0x3FAE] =	sst s1  }
0xa: {  	[smem:$0x3FAF] =	sst s2  }
0xb: {  	[smem:$0x3FB0] =	sst s3  }
0xc: {  	[smem:$0x3FB1] =	sst s4  }
0xd: {  	[smem:$0x3FB2] =	sst s5  }
0xe: {  	[smem:$0x3FB3] =	sst s6  }
0xf: {  	[smem:$0x3FB4] =	sst s7  }
0x10: {  	[smem:$0x3FB5] =	sst s8  }
0x11: {  	[smem:$0x3FB6] =	sst s9;
	s0 =	simm.s32 @!p0 $0x0  }
0x12: {  	s1 =	sld [smem:$0x3F9C];
	s0 =	simm.s32 @p0 $0x1  }
0x13: {  	[smem:$0x3FB7] =	sst s0;
	s0 =	simm.s32 @!p1 $0x0  }
0x14: {  	s2 =	sld [smem:$0x3F9B];
	s0 =	simm.s32 @p1 $0x1  }
0x15: {  	[smem:$0x3FB8] =	sst s0;
	s0 =	simm.s32 @!p2 $0x0  }
0x16: {  	s3 =	sld [smem:$0x3FDB];
	s0 =	simm.s32 @p2 $0x1  }
0x17: {  	s4 =	simm.s32 $0x1BF5;
	[smem:$0x3FBA] =	sst s0  }
0x18: {  	s0 =	sld [smem:$0x3F9D];
	_ =	swait.ge [sflag:s4], $0x0  }
0x19: {  	s7 =	sld [smem:$0x3F9E]  }
0x1a: {  	s8 =	sadd.s32 $0xFFFFE003, lr  }
0x1b: {  	s9 =	sadd.s32 $0xFFFFFEF7, lr;
	s5 =	simm.s32 $0xFFFFFFFF;
	p2 =	slt.u32 s8, $0xFFFFF086  }
0x1c: {  	p1 =	slt.u32 s9, $0xF7A;
	s5 =	simm.s32 @!p2 $0x0  }
0x1d: {  	s5 =	simm.s32 @p1 $0x1;
	p0 =	seq.s32 s7, s2  }
0x1e: {  	s7 =	smul.u32 @!p0 $0xF7A, s2;
	p2 =	seq.s32 @!p0 s5, $0x0  }
0x1f: {  	s9 =	smul.u32 $0xF7A, s1;
	s8 =	simm.s32 @!p0 $0x1BF5;
	p2 =	por !p2, p0  }
0x20: {  	[sflag:s8] =	ssyncset.s32 @!p0 $0xFFFFF086;
	s6 =	sadd.s32 @!p0 s3, s7;
	s7 =	simm.s32 @!p0 $0x108  }
0x21: {  	s3 =	sadd.s32 s3, s9;
	s6 =	sadd.s32 @!p0 $0x88, s6;
	s7 =	simm.s32 @p2 $0x1082  }
0x22: {  	[simem:s7], [sflag:s8] =	dma.local @!p0 [hbm:s6], $0xF7A  }
0x23: {  	s9 =	sor.u32 $0xD0000000, s2;
	s6 =	simm.s32 $0x108;
	_ =	swait.ge @!p0 [sflag:s8], $0x0  }
0x24: {  	s3 =	sadd.s32 $0x88, s3;
	s6 =	simm.s32 @!p1 $0x1082;
	[sflag:s4] =	ssyncset.s32 $0xFFFFF086  }
0x25: {  	[simem:s6], [sflag:s4] =	dma.local [hbm:s3], $0xF7A  }
0x26: {  	[smem:$0x3F9E] =	sst s1;
	(tag) =	ssettag s2;
	_ =	strace s9  }
0x27: {  	s1 =	sld [smem:$0x3FAE]  }
0x28: {  	s2 =	sld [smem:$0x3FAF]  }
0x29: {  	s4 =	sld [smem:$0x3FB1]  }
0x2a: {  	p0 =	seq.s32 s5, $0x0;
	s5 =	sld [smem:$0x3FB2]  }
0x2b: {  	s6 =	sld [smem:$0x3FB3]  }
0x2c: {  	s7 =	sld [smem:$0x3FB4]  }
0x2d: {  	s3 =	simm.s32 $0x108;
	s8 =	sld [smem:$0x3FB5]  }
0x2e: {  	s3 =	simm.s32 @!p0 $0x1082;
	s9 =	sld [smem:$0x3FB6]  }
0x2f: {  	lr =	sadd.s32 s0, s3;
	s0 =	sld [smem:$0x3FAD]  }
0x30: {  	s3 =	sld [smem:$0x3FB0]  }
0x31: {  	[smem:$0x3FB9] =	sst s10  }
0x32: {  	s10 =	sld [smem:$0x3FB7];
	_ =	sdelay $0x3  }
0x33: {  	p0 =	seq.s32 s10, $0x1;
	s10 =	sld [smem:$0x3FB9];
	_ =	sdelay $0x3  }
0x34: {  	[smem:$0x3FB9] =	sst s10  }
0x35: {  	s10 =	sld [smem:$0x3FB8];
	_ =	sdelay $0x3  }
0x36: {  	p1 =	seq.s32 s10, $0x1;
	s10 =	sld [smem:$0x3FB9];
	_ =	sdelay $0x3  }
0x37: {  	[smem:$0x3FB9] =	sst s10  }
0x38: {  	s10 =	sld [smem:$0x3FBA]  }
0x39: {  	_ = 	snop;
	(pc) =	sbr.ind lr, $3  }
0x3a: {  	_ = 	snop  }
0x3b: {  	_ = 	snop  }
0x3c: {  	p2 =	seq.s32 s10, $0x1;
	s10 =	sld [smem:$0x3FB9]  }
0x3d: {  	_ =	shalt  }
0x3e: {  	_ =	shalt  }
0x3f: {  	_ =	shalt  }
0x40: {  	_ =	shalt  }
0x41: {  	_ =	shalt  }
0x42: {  	_ =	shalt  }
0x43: {  	_ =	shalt  }
0x44: {  	_ =	shalt  }
0x45: {  	_ =	shalt  }
0x46: {  	_ =	shalt  }
0x47: {  	_ =	shalt  }
0x48: {  	_ =	shalt  }
0x49: {  	_ =	shalt  }
0x4a: {  	_ =	shalt  }
0x4b: {  	_ =	shalt  }
0x4c: {  	_ =	shalt  }
0x4d: {  	_ =	shalt  }
0x4e: {  	_ =	shalt  }
0x4f: {  	_ =	shalt  }
0x50: {  	_ =	shalt  }
0x51: {  	_ =	shalt  }
0x52: {  	_ =	shalt  }
0x53: {  	_ =	shalt  }
0x54: {  	_ =	shalt  }
0x55: {  	_ =	shalt  }
0x56: {  	_ =	shalt  }
0x57: {  	_ =	shalt  }
0x58: {  	_ =	shalt  }
0x59: {  	_ =	shalt  }
0x5a: {  	_ =	shalt  }
0x5b: {  	_ =	shalt  }
0x5c: {  	_ =	shalt  }
0x5d: {  	_ =	shalt  }
0x5e: {  	_ =	shalt  }
0x5f: {  	_ =	shalt  }
0x60: {  	_ =	shalt  }
0x61: {  	_ =	shalt  }
0x62: {  	_ =	shalt  }
0x63: {  	_ =	shalt  }
0x64: {  	_ =	shalt  }
0x65: {  	_ =	shalt  }
0x66: {  	_ =	shalt  }
0x67: {  	_ =	shalt  }
0x68: {  	_ =	shalt  }
0x69: {  	_ =	shalt  }
0x6a: {  	_ =	shalt  }
0x6b: {  	_ =	shalt  }
0x6c: {  	_ =	shalt  }
0x6d: {  	_ =	shalt  }
0x6e: {  	_ =	shalt  }
0x6f: {  	_ =	shalt  }
0x70: {  	_ =	shalt  }
0x71: {  	_ =	shalt  }
0x72: {  	_ =	shalt  }
0x73: {  	_ =	shalt  }
0x74: {  	_ =	shalt  }
0x75: {  	_ =	shalt  }
0x76: {  	_ =	shalt  }
0x77: {  	_ =	shalt  }
0x78: {  	_ =	shalt  }
0x79: {  	_ =	shalt  }
0x7a: {  	_ =	shalt  }
0x7b: {  	_ =	shalt  }
0x7c: {  	_ =	shalt  }
0x7d: {  	_ =	shalt  }
0x7e: {  	_ =	shalt  }
0x7f: {  	_ =	shalt  }
0x80: {  	_ =	shalt  }
0x81: {  	_ =	shalt  }
0x82: {  	_ =	shalt  }
0x83: {  	_ =	shalt  }
0x84: {  	_ =	shalt  }
0x85: {  	_ =	shalt  }
0x86: {  	_ =	shalt  }
0x87: {  	_ =	shalt  }
.Lfunc_end0:
.L_simem_size_0:
called_computation.1_lowered:
.L_overlay_start_0:
0x88: {  	s2 =	sld [smem:$0x3FD9]  }
0x89: {  	s3 =	sld [smem:$0x3FFE];
	_ =	sdelay $0x1  }
0x8a: {  	s1 =	srdreg.scid  }
0x8b: {  	s0 =	sand.u32 $0x1, s1  }
0x8c: {  	s17 =	sshll.u32 s0, $0xA;
	s2 =	sadd.s32 s3, s2  }
0x8d: {  	s2 =	sadd.s32 s2, s17  }
0x8e: {  	[smem:$0x3FC5] =	sst s2  }
0x8f: {  	_ = 	snop  }
0x90: {  	s2 =	sld [smem:$0x3FC7]  }
0x91: {  	s18 =	sld [smem:$0x3FD0];
	(tm) =	ssettm $0x1  }
0x92: {  	s4 =	sld [smem:$0x3FFB];
	_ =	sdelay $0x3  }
0x93: {  	_ =	strace s4  }
0x94: {  	s4 =	sld [smem:$0x3FFC];
	_ =	sdelay $0x3  }
0x95: {  	_ =	strace s4  }
0x96: {  	s4 =	sld [smem:$0x3FFD];
	_ =	sdelay $0x3  }
0x97: {  	_ =	strace s4  }
0x98: {  	_ =	strace $0x8FFFFFFF  }
0x99: {  	s19 =	sld [smem:$0x3FDB];
	_ =	sdelay $0x1  }
0x9a: {  	s5 =	simm.s32 $_scs_section_size  }
0x9b: {  	s6 =	simm.s32 $_size__tile_overlayer_lowered;
	s7 =	simm.s32 $_tile_overlayer_lowered  }
0x9c: {  	s22 =	simm.s32 $0x1BFF;
	s21 =	sshll.u32 s7, $0x1;
	s4 =	sadd.s32 s5, s19  }
0x9d: {  	s8 =	simm.s32 $0x0;
	s20 =	sshll.u32 s6, $0x1;
	s6 =	sadd.s32 s21, s4  }
0x9e: {  	[timem:s8], [sflag:s22] =	dma.local [hbm:s6], s20  }
0x9f: {  	_ =	swait.ge [sflag:s22], s20  }
0xa0: {  	s5 =	ssub.s32 $0x0, s20;
	[sflag:s22] =	ssyncset.done $0x0  }
0xa1: {  	[sflag:s22] =	ssyncadd.s32 s5;
	_ =	sdelay $0x1  }
0xa2: {  	s23 =	simm.s32 $0x1B8B  }
0xa3: {  	_ =	swait.ge [sflag:s23], $0x1  }
0xa4: {  	[sflag:s23] =	ssyncset.done $0x0  }
0xa5: {  	s25 =	simm.s32 $0x1B8E;
	s24 =	sld [smem:$0x3FFE];
	[sflag:s23] =	ssyncadd.s32 $0xFFFFFFFF  }
0xa6: {  	s26 =	simm.s32 $execute0_lowered;
	[smem:$0x3FD2] =	sst s25  }
0xa7: {  	s6 =	sshll.u32 s26, $0x1;
	_ =	strace $0x80000046;
	[dreg:$0x1] =	wrdreg $0xFFFFFFFF  }
0xa8: {  	s28 =	simm.s32 $_size_execute0_lowered;
	s4 =	sadd.s32 s4, s6;
	[dreg:$0x0] =	wrdreg $0x0  }
0xa9: {  	s6 =	sshll.u32 s28, $0x1;
	[dreg:$0x2] =	wrdreg s4  }
0xaa: {  	[dreg:$0x3] =	wrdreg s6  }
0xab: {  	[dreg:$0x4] =	wrdreg $0xC0  }
0xac: {  	_ =	task [dreg:s8], $0x5FFFF  }
0xad: {  	[dreg:$0x1] =	wrdreg $0xFFFFFFFF  }
0xae: {  	[dreg:$0x0] =	wrdreg $0x60  }
0xaf: {  	[dreg:$0x2] =	wrdreg s24  }
0xb0: {  	[dreg:$0x3] =	wrdreg s2  }
0xb1: {  	[dreg:$0x4] =	wrdreg s18  }
0xb2: {  	[dreg:$0x5] =	wrdreg $0x9  }
0xb3: {  	_ =	task.clear_ibuf [dreg:s8], $0x6FFFF;
	_ =	strace $0x90000046  }
0xb4: {  	s29 =	simm.s32 $0x9;
	_ =	strace $0x80000048  }
0xb5: {  	_ =	swait.ge [sflag:s29], $0x1  }
0xb6: {  	[sflag:s29] =	ssyncadd.s32 $0xFFFFFFFF  }
0xb7: {  	_ =	strace $0x90000048  }
0xb8: {  	_ =	sfence  }
0xb9: {  	s30 =	sld [smem:$0x0];
	_ =	sdelay $0x2  }
0xba: {  	s31 =	sshll.u32 s1, $0xD;
	s1 =	sshrl.u32 s1, $0x2  }
0xbb: {  	s3 =	sand.u32 $0x4000, s31;
	s1 =	sadd.s32 s1, s30  }
0xbc: {  	s0 =	sor.u32 s3, s0;
	s1 =	sshll.u32 s1, $0x11  }
0xbd: {  	s0 =	sor.u32 s1, s0  }
0xbe: {  	s0 =	sadd.s32 $0x8F2B, s0  }
0xbf: {  	[sflag:s0] =	ssyncadd.remote.s32 $0x1  }
0xc0: {  	_ =	sfence.sel $0xFFFF  }
0xc1: {  	[dreg:$0x0] =	wrdreg $0xFFFFFFFF;
	(pc) =	sbr.abs _section_cstart, $3  }
0xc2: {  	[dreg:$0x1] =	wrdreg $0xFFFFFFFF  }
0xc3: {  	_ =	task.clear_ibuf [dreg:s8], $0x2FFFF;
	_ =	strace $0x9FFFFFFF  }
0xc4: {  	(tm) =	ssettm $0x7FFFFFFF  }
0xc5: {  	_ =	shalt  }
tec
execute0_lowered:
.L_overlay_start_1:
0x0: {  	(tag) =	ssettag $0x1  }
0x1: {  	s0 =	rddreg [dreg:$0x0]  }
0x2: {  	s1 =	rddreg [dreg:$0x1]  }
0x3: {  	s2 =	rddreg [dreg:$0x2];
	s3 =	simm.s32 $0x0;
	v0 =	vimm.s32 $0xEFCDAB89  }
0x4: {  	s4 =	srdreg.scid;
	v1 =	vimm.s32 $0x67452301;
	s30 =	stileid.u32;
	v2 =	vimm.s32 $0xDCFE98BA;
	v3 =	vimm.s32 $0x54761032;
	s11 =	simm.s32 $0x80  }
0x5: {  	v4 =	vimm.s32 $0xBA98FEDC;
	v5 =	vimm.s32 $0xFEDCBA98;
	s12 =	simm.s32 $0x400;
	s13 =	simm.s32 $0x2400;
	s14 =	simm.s32 $0x100  }
0x6: {  	v6 =	vimm.s32 $0x32107654;
	s15 =	simm.s32 $0x4400;
	s16 =	simm.s32 $0x180;
	s17 =	simm.s32 $0x6400  }
0x7: {  	v7 =	vimm.s32 $0x76543210;
	s18 =	simm.s32 $0x200;
	s19 =	simm.s32 $0x8400;
	s20 =	simm.s32 $0x280;
	v0 =	vunpack.c.l.s4.s8 v0  }
0x8: {  	s21 =	simm.s32 $0xA400;
	s22 =	simm.s32 $0x300;
	s23 =	simm.s32 $0xC400;
	v1 =	vunpack.c.l.s4.s8 v1;
	v2 =	vunpack.c.l.s4.s8 v2;
	v3 =	vunpack.c.l.s4.s8 v3  }
0x9: {  	s24 =	simm.s32 $0x380;
	s25 =	simm.s32 $0xE400;
	s26 =	simm.s32 $0x1;
	v5 =	vunpack.c.l.s4.s8 v5;
	v4 =	vunpack.c.l.s4.s8 v4;
	v6 =	vunpack.c.l.s4.s8 v6  }
0xa: {  	s28 =	simm.s32 $0x0;
	[smem:$0x7FF] =	sst s3;
	s7 =	sand.u32 $0x1, s4;
	v7 =	vunpack.c.l.s4.s8 v7;
	v0 =	vunpack.c.0.s8.s32 v0;
	v1 =	vunpack.c.0.s8.s32 v1  }
0xb: {  	s5 =	sadd.s32 $0xA00, s0;
	s10 =	sshll.u32 s30, $0x1;
	s8 =	ssub.s32 $0x2, s7;
	v2 =	vunpack.c.0.s8.s32 v2;
	v3 =	vunpack.c.0.s8.s32 v3;
	v5 =	vunpack.c.0.s8.s32 v5  }
0xc: {  	s6 =	sadd.s32 $0xF42E00, s0;
	_ =	strace $0x80000047;
	s9 =	sshrl.u32 s8, $0x1;
	v4 =	vunpack.c.0.s8.s32 v4;
	v6 =	vunpack.c.0.s8.s32 v6;
	v7 =	vunpack.c.0.s8.s32 v7  }
0xd: {  	s7 =	sor.u32 s7, s10;
	s10 =	simm.s32 $0x2;
	s31 =	ssub.s32 s8, s9;
	v0 =	vcombine.low v1, v0;
	v1 =	vcombine.low v3, v2;
	v3 =	vand.u32 $0xF, v5  }
0xe: {  	s7 =	smul.u32 $0x6400, s7;
	s9 =	simm.s32 $0x10400;
	s8 =	smax.u32 s31, $0x1;
	v2 =	vcombine.low v6, v4;
	v3 =	vcombine.low v3, v7  }
.LBB2_1:
0xf: {  	[tilespmem:s9], [sflag:$0x2] =	stream.linear.gather [hbm4b:s1+s3], $0x40, $0x38;
	[tilespmem:$0x10440] =	vst v63  }
0x10: {  	_ =	swait.ge [sflag:s10], $0x40  }
0x11: {  	[sflag:s10] =	ssyncset.done $0x0  }
0x12: {  	[sflag:s10] =	ssyncadd.s32 $0xFFFFFFC0  }
0x13: {  	v4 =	vld [tilespmem:$0x10400]  }
0x14: {  	v5 =	vld [tilespmem:$0x10410]  }
0x15: {  	v7 =	vld [tilespmem:$0x10430]  }
0x16: {  	v6 =	vld [tilespmem:$0x10420];
	_ =	sdelay $0x1  }
0x17: {  	s29 =	simm.s32 $0x0  }
.LBB2_2:
0x18: {  	s0 =	sshll.u32 s29, $0xA  }
0x19: {  	s30 =	sadd.s32 s7, s0  }
0x1a: {  	s0 =	sshrl.u32 s30, $0x3  }
0x1b: {  	s31 =	simm.s32 $0x0;
	s0 =	sadd.s32 s5, s0  }
0x1c: {  	[tilespmem:s31], [sflag:$0x2] =	stream.linear.gather [hbm4b:s0+s31], $0x400, $0x38;
	[tilespmem:$0x10440] =	vst v63  }
0x1d: {  	_ =	swait.ge [sflag:s10], $0x400  }
0x1e: {  	[sflag:s10] =	ssyncset.done $0x0  }
0x1f: {  	[sflag:s10] =	ssyncadd.s32 $0xFFFFFC00  }
0x20: {  	[tilespmem:s12], [sflag:$0x1] =	stream.indirect.gather [hbm4b:s6+s11], $0x40, s31, s11, $0xb8;
	[tilespmem:$0x10440] =	vst v63  }
0x21: {  	_ = 	snop  }
0x22: {  	[tilespmem:s13], [sflag:$0x1] =	stream.indirect.gather [hbm4b:s6+s11], $0x40, s11, s11, $0xb8;
	[tilespmem:$0x10440] =	vst v63  }
0x23: {  	_ = 	snop  }
0x24: {  	[tilespmem:s15], [sflag:$0x1] =	stream.indirect.gather [hbm4b:s6+s11], $0x40, s14, s11, $0xb8;
	[tilespmem:$0x10440] =	vst v63  }
0x25: {  	_ = 	snop  }
0x26: {  	[tilespmem:s17], [sflag:$0x1] =	stream.indirect.gather [hbm4b:s6+s11], $0x40, s16, s11, $0xb8;
	[tilespmem:$0x10440] =	vst v63  }
0x27: {  	_ = 	snop  }
0x28: {  	[tilespmem:s19], [sflag:$0x1] =	stream.indirect.gather [hbm4b:s6+s11], $0x40, s18, s11, $0xb8;
	[tilespmem:$0x10440] =	vst v63  }
0x29: {  	_ = 	snop  }
0x2a: {  	[tilespmem:s21], [sflag:$0x1] =	stream.indirect.gather [hbm4b:s6+s11], $0x40, s20, s11, $0xb8;
	[tilespmem:$0x10440] =	vst v63  }
0x2b: {  	_ = 	snop  }
0x2c: {  	[tilespmem:s23], [sflag:$0x1] =	stream.indirect.gather [hbm4b:s6+s11], $0x40, s22, s11, $0xb8;
	[tilespmem:$0x10440] =	vst v63  }
0x2d: {  	_ = 	snop  }
0x2e: {  	[tilespmem:s25], [sflag:$0x1] =	stream.indirect.gather [hbm4b:s6+s11], $0x40, s24, s11, $0xb8;
	[tilespmem:$0x10440] =	vst v63  }
0x2f: {  	_ =	swait.ge [sflag:s26], $0x2000  }
0x30: {  	[sflag:s26] =	ssyncset.done $0x0  }
0x31: {  	[sflag:s26] =	ssyncadd.s32 $0xFFFFE000  }
0x32: {  	_ =	swait.ge [sflag:s26], $0x2000  }
0x33: {  	[sflag:s26] =	ssyncset.done $0x0  }
0x34: {  	[sflag:s26] =	ssyncadd.s32 $0xFFFFE000  }
0x35: {  	_ =	swait.ge [sflag:s26], $0x2000  }
0x36: {  	[sflag:s26] =	ssyncset.done $0x0  }
0x37: {  	[sflag:s26] =	ssyncadd.s32 $0xFFFFE000  }
0x38: {  	_ =	swait.ge [sflag:s26], $0x2000  }
0x39: {  	[sflag:s26] =	ssyncset.done $0x0  }
0x3a: {  	[sflag:s26] =	ssyncadd.s32 $0xFFFFE000  }
0x3b: {  	_ =	swait.ge [sflag:s26], $0x2000  }
0x3c: {  	[sflag:s26] =	ssyncset.done $0x0  }
0x3d: {  	[sflag:s26] =	ssyncadd.s32 $0xFFFFE000  }
0x3e: {  	_ =	swait.ge [sflag:s26], $0x2000  }
0x3f: {  	[sflag:s26] =	ssyncset.done $0x0  }
0x40: {  	[sflag:s26] =	ssyncadd.s32 $0xFFFFE000  }
0x41: {  	_ =	swait.ge [sflag:s26], $0x2000  }
0x42: {  	[sflag:s26] =	ssyncset.done $0x0  }
0x43: {  	[sflag:s26] =	ssyncadd.s32 $0xFFFFE000  }
0x44: {  	_ =	swait.ge [sflag:s26], $0x2000  }
0x45: {  	[sflag:s26] =	ssyncset.done $0x0  }
0x46: {  	s31 =	simm.s32 $0x0;
	[sflag:s26] =	ssyncadd.s32 $0xFFFFE000  }
0x47: {  	v10 =	vld [tilespmem:s31+$0x410]  }
0x48: {  	v8 =	vld [tilespmem:s31+$0x400];
	_ =	sdelay $0x1  }
0x49: {  	v9 =	vld [tilespmem:s31+$0x420];
	_ =	sdelay $0x1  }
0x4a: {  	v11 =	vld [tilespmem:s31+$0x430]  }
0x4b: {  	v12 =	vmul.f32 v8, v8;
	v13 =	vmul.f32 v10, v10;
	_ =	sdelay $0x1  }
0x4c: {  	v12 =	vadd.f32 v13, v12;
	v13 =	vmul.f32 v9, v9;
	_ =	sdelay $0x1  }
0x4d: {  	v12 =	vadd.f32 v13, v12;
	v13 =	vmul.f32 v11, v11;
	_ =	sdelay $0x1  }
0x4e: {  	v12 =	vadd.f32 v13, v12;
	_ =	sdelay $0x1  }
0x4f: {  	v13 =	vperm.xlane v12, v0;
	_ =	sdelay $0x1  }
0x50: {  	v12 =	vadd.f32 v12, v13;
	_ =	sdelay $0x1  }
0x51: {  	v13 =	vperm.xlane v12, v1;
	_ =	sdelay $0x1  }
0x52: {  	v12 =	vadd.f32 v12, v13;
	_ =	sdelay $0x1  }
0x53: {  	v13 =	vperm.xlane v12, v2;
	_ =	sdelay $0x1  }
0x54: {  	v12 =	vadd.f32 v12, v13;
	_ =	sdelay $0x1  }
0x55: {  	v13 =	vperm.xlane v12, v3;
	_ =	sdelay $0x1  }
0x56: {  	v12 =	vadd.f32 v12, v13;
	_ =	sdelay $0x1  }
0x57: {  	v12 =	vmul.f32 $1.562500000e-02, v12;
	_ =	sdelay $0x1  }
0x58: {  	v12 =	vadd.f32 $9.999999970e-07, v12;
	_ =	sdelay $0x1  }
0x59: {  	v13 =	vadd.f32 $1.000000000e+00, v12;
	_ =	sdelay $0x1  }
0x5a: {  	v13 =	vmul.f32 $5.000000000e-01, v13;
	_ =	sdelay $0x1  }
0x5b: {  	(erf) = vrcp.f32 v13;
	_ =	sdelay $0x8  }
0x5c: {  	v14 =	vpop (erf)  }
0x5d: {  	v14 =	vmul.f32 v14, v12;
	_ =	sdelay $0x1  }
0x5e: {  	v13 =	vadd.f32 v14, v13;
	_ =	sdelay $0x1  }
0x5f: {  	v13 =	vmul.f32 $5.000000000e-01, v13;
	_ =	sdelay $0x1  }
0x60: {  	(erf) = vrcp.f32 v13;
	_ =	sdelay $0x8  }
0x61: {  	v14 =	vpop (erf)  }
0x62: {  	v14 =	vmul.f32 v14, v12;
	_ =	sdelay $0x1  }
0x63: {  	v13 =	vadd.f32 v14, v13;
	_ =	sdelay $0x1  }
0x64: {  	v13 =	vmul.f32 $5.000000000e-01, v13;
	_ =	sdelay $0x1  }
0x65: {  	(erf) = vrcp.f32 v13;
	_ =	sdelay $0x8  }
0x66: {  	v14 =	vpop (erf)  }
0x67: {  	v14 =	vmul.f32 v14, v12;
	_ =	sdelay $0x1  }
0x68: {  	v13 =	vadd.f32 v14, v13;
	_ =	sdelay $0x1  }
0x69: {  	v13 =	vmul.f32 $5.000000000e-01, v13;
	_ =	sdelay $0x1  }
0x6a: {  	(erf) = vrcp.f32 v13;
	_ =	sdelay $0x8  }
0x6b: {  	v14 =	vpop (erf)  }
0x6c: {  	v14 =	vmul.f32 v14, v12;
	_ =	sdelay $0x1  }
0x6d: {  	v13 =	vadd.f32 v14, v13;
	_ =	sdelay $0x1  }
0x6e: {  	v13 =	vmul.f32 $5.000000000e-01, v13;
	_ =	sdelay $0x1  }
0x6f: {  	(erf) = vrcp.f32 v13;
	_ =	sdelay $0x8  }
0x70: {  	v14 =	vpop (erf)  }
0x71: {  	v12 =	vmul.f32 v14, v12;
	_ =	sdelay $0x1  }
0x72: {  	v12 =	vadd.f32 v12, v13;
	_ =	sdelay $0x1  }
0x73: {  	v12 =	vmul.f32 $5.000000000e-01, v12;
	_ =	sdelay $0x1  }
0x74: {  	(erf) = vrcp.f32 v12;
	_ =	sdelay $0x8  }
0x75: {  	v12 =	vpop (erf)  }
0x76: {  	s0 =	simm.s32 $0x100;
	v13 =	vmul.f32 v12, v10;
	v10 =	vmul.f32 v12, v11  }
.LBB2_3:
0x77: {  	p0 =	sne.s32 s0, $0x3FF00;
	v8 =	vmul.f32 v12, v8;
	v9 =	vmul.f32 v12, v9;
	s4 =	smov.u32 s0;
	s0 =	sadd.s32 $0x100, s0  }
0x78: {  	s4 =	sshra.s32 s4, $0x2;
	v11 =	vmul.f32 v13, v5;
	v12 =	vmul.f32 v10, v7  }
0x79: {  	v8 =	vmul.f32 v8, v4;
	v9 =	vmul.f32 v9, v6  }
0x7a: {  	[tilespmem:s31+$0x410] =	vst v11  }
0x7b: {  	v10 =	vld [tilespmem:s4+$0x410];
	[tilespmem:s31+$0x400] =	vst v8  }
0x7c: {  	v8 =	vld [tilespmem:s4+$0x400];
	[tilespmem:s31+$0x430] =	vst v12  }
0x7d: {  	[tilespmem:s31+$0x420] =	vst v9;
	s31 =	smov.u32 s4  }
0x7e: {  	v9 =	vld [tilespmem:s31+$0x420];
	_ =	sdelay $0x1  }
0x7f: {  	v11 =	vld [tilespmem:s31+$0x430]  }
0x80: {  	v13 =	vmul.f32 v10, v10;
	v12 =	vmul.f32 v8, v8;
	_ =	sdelay $0x1  }
0x81: {  	v12 =	vadd.f32 v13, v12;
	v13 =	vmul.f32 v9, v9;
	_ =	sdelay $0x1  }
0x82: {  	v12 =	vadd.f32 v13, v12;
	v13 =	vmul.f32 v11, v11;
	_ =	sdelay $0x1  }
0x83: {  	v12 =	vadd.f32 v13, v12;
	_ =	sdelay $0x1  }
0x84: {  	v13 =	vperm.xlane v12, v0;
	_ =	sdelay $0x1  }
0x85: {  	v12 =	vadd.f32 v12, v13;
	_ =	sdelay $0x1  }
0x86: {  	v13 =	vperm.xlane v12, v1;
	_ =	sdelay $0x1  }
0x87: {  	v12 =	vadd.f32 v12, v13;
	_ =	sdelay $0x1  }
0x88: {  	v13 =	vperm.xlane v12, v2;
	_ =	sdelay $0x1  }
0x89: {  	v12 =	vadd.f32 v12, v13;
	_ =	sdelay $0x1  }
0x8a: {  	v13 =	vperm.xlane v12, v3;
	_ =	sdelay $0x1  }
0x8b: {  	v12 =	vadd.f32 v12, v13;
	_ =	sdelay $0x1  }
0x8c: {  	v12 =	vmul.f32 $1.562500000e-02, v12;
	_ =	sdelay $0x1  }
0x8d: {  	v12 =	vadd.f32 $9.999999970e-07, v12;
	_ =	sdelay $0x1  }
0x8e: {  	v13 =	vadd.f32 $1.000000000e+00, v12;
	_ =	sdelay $0x1  }
0x8f: {  	v13 =	vmul.f32 $5.000000000e-01, v13;
	_ =	sdelay $0x1  }
0x90: {  	(erf) = vrcp.f32 v13;
	_ =	sdelay $0x8  }
0x91: {  	v14 =	vpop (erf)  }
0x92: {  	v14 =	vmul.f32 v14, v12;
	_ =	sdelay $0x1  }
0x93: {  	v13 =	vadd.f32 v14, v13;
	_ =	sdelay $0x1  }
0x94: {  	v13 =	vmul.f32 $5.000000000e-01, v13;
	_ =	sdelay $0x1  }
0x95: {  	(erf) = vrcp.f32 v13;
	_ =	sdelay $0x8  }
0x96: {  	v14 =	vpop (erf)  }
0x97: {  	v14 =	vmul.f32 v14, v12;
	_ =	sdelay $0x1  }
0x98: {  	v13 =	vadd.f32 v14, v13;
	_ =	sdelay $0x1  }
0x99: {  	v13 =	vmul.f32 $5.000000000e-01, v13;
	_ =	sdelay $0x1  }
0x9a: {  	(erf) = vrcp.f32 v13;
	_ =	sdelay $0x8  }
0x9b: {  	v14 =	vpop (erf)  }
0x9c: {  	v14 =	vmul.f32 v14, v12;
	_ =	sdelay $0x1  }
0x9d: {  	v13 =	vadd.f32 v14, v13;
	_ =	sdelay $0x1  }
0x9e: {  	v13 =	vmul.f32 $5.000000000e-01, v13;
	_ =	sdelay $0x1  }
0x9f: {  	(erf) = vrcp.f32 v13;
	_ =	sdelay $0x8  }
0xa0: {  	v14 =	vpop (erf)  }
0xa1: {  	v14 =	vmul.f32 v14, v12;
	_ =	sdelay $0x1  }
0xa2: {  	v13 =	vadd.f32 v14, v13;
	_ =	sdelay $0x1  }
0xa3: {  	v13 =	vmul.f32 $5.000000000e-01, v13;
	_ =	sdelay $0x1  }
0xa4: {  	(erf) = vrcp.f32 v13;
	_ =	sdelay $0x8  }
0xa5: {  	v14 =	vpop (erf)  }
0xa6: {  	v12 =	vmul.f32 v14, v12;
	_ =	sdelay $0x1  }
0xa7: {  	v12 =	vadd.f32 v12, v13;
	_ =	sdelay $0x1  }
0xa8: {  	v12 =	vmul.f32 $5.000000000e-01, v12;
	_ =	sdelay $0x1  }
0xa9: {  	(erf) = vrcp.f32 v12;
	_ =	sdelay $0x5  }
.Ltmp0:
0xaa: {  	(pc) =	sbr.rel @p0 .LBB2_3-.Ltmp0, $3  }
0xab: {  	_ =	sdelay $0x1  }
0xac: {  	v12 =	vpop (erf)  }
0xad: {  	v13 =	vmul.f32 v12, v10;
	v10 =	vmul.f32 v12, v11  }
0xae: {  	_ = 	snop  }
0xaf: {  	v8 =	vmul.f32 v12, v8;
	v11 =	vmul.f32 v13, v5  }
0xb0: {  	v9 =	vmul.f32 v12, v9;
	v10 =	vmul.f32 v10, v7  }
0xb1: {  	v8 =	vmul.f32 v8, v4;
	[tilespmem:s31+$0x410] =	vst v11  }
0xb2: {  	s29 =	sadd.s32 $0x1, s29;
	v9 =	vmul.f32 v9, v6;
	[tilespmem:s31+$0x430] =	vst v10  }
0xb3: {  	s0 =	sshll.u32 s30, $0x3;
	p0 =	sne.s32 s29, $0x19;
	[tilespmem:s31+$0x400] =	vst v8  }
.Ltmp1:
0xb4: {  	s0 =	sadd.s32 s2, s0;
	[tilespmem:s31+$0x420] =	vst v9;
	(pc) =	sbr.rel @p0 .LBB2_2-.Ltmp1, $4  }
0xb5: {  	[hbm4b:s0+s3] =	stream.linear.scatter [tilespmem:s12], [sflag:$0x2], $0x10000, $0x38;
	[tilespmem:$0x10440] =	vst v63  }
0xb6: {  	_ =	swait.ge [sflag:s10], $0x10000  }
0xb7: {  	[sflag:s10] =	ssyncset.done $0x0  }
0xb8: {  	[sflag:s10] =	ssyncadd.s32 $0xFFFF0000  }
0xb9: {  	s28 =	sadd.s32 $0x1, s28  }
0xba: {  	p0 =	sne.s32 s28, s8  }
.Ltmp2:
0xbb: {  	_ = 	snop;
	(pc) =	sbr.rel @p0 .LBB2_1-.Ltmp2, $1  }
0xbc: {  	_ =	sdelay $0x3  }
0xbd: {  	_ =	sfence.sel $0x180000  }
0xbe: {  	[bflag:$0x0] =	sbarrier.arrive $0xFFFF  }
0xbf: {  	_ =	strace $0x90000047  }
0xc0: {  	s0 =	stileid.u32;
	[bflag:$0x2] =	sbarrier.arrive $0xFFFF  }
0xc1: {  	p0 =	sne.s32 s0, $0x0;
	s0 =	rddreg [dreg:$0x3]  }
0xc2: {  	s0 =	sadd.s32 @!p0 $0x100000, s0  }
0xc3: {  	[sflag:s0] =	ssyncadd.tile.s32 @!p0 $0x1;
	_ =	shalt  }
.Lfunc_end2:
_tile_overlayer_lowered:
.L_overlay_start_2:
0xc4: {  	(tag) =	ssettag $0x2  }
0xc5: {  	s0 =	rddreg [dreg:$0x0];
	s2 =	stileid.u32  }
0xc6: {  	s1 =	rddreg [dreg:$0x1];
	p0 =	sne.s32 s2, $0x0  }
0xc7: {  	s3 =	rddreg [dreg:$0x2];
	[bflag:$0x3] =	sbarrier.arrive $0xFFFF;
	s2 =	simm.s32 @!p0 $0x1C02  }
0xc8: {  	[timem:s3], [sflag:s2] =	dma.local @!p0 [hbm:s0], s1  }
0xc9: {  	s0 =	simm.s32 @!p0 $0x2  }
0xca: {  	_ =	swait.ge @!p0 [sflag:s0], s1  }
0xcb: {  	s1 =	ssub.s32 @!p0 $0x0, s1;
	[sflag:s0] =	ssyncset.done @!p0 $0x0  }
0xcc: {  	[sflag:s0] =	ssyncadd.s32 @!p0 s1  }
0xcd: {  	[bflag:$0x3] =	sbarrier.arrive $0xFFFF  }
0xce: {  	_ =	shalt  }

// kernel: sparse-core-data-format-call.cloned.1.call-start
scs
called_computation_lowered:
.L_overlay_start_0:
0x0: {  	s2 =	sld [smem:$0x3FD9]  }
0x1: {  	s3 =	sld [smem:$0x3FFE];
	_ =	sdelay $0x1  }
0x2: {  	s1 =	srdreg.scid  }
0x3: {  	s0 =	sand.u32 $0x1, s1  }
0x4: {  	s18 =	sshll.u32 s0, $0xA;
	s2 =	sadd.s32 s3, s2  }
0x5: {  	s2 =	sadd.s32 s2, s18  }
0x6: {  	[smem:$0x3FC5] =	sst s2  }
0x7: {  	_ = 	snop  }
0x8: {  	s2 =	sld [smem:$0x3FD0];
	(tm) =	ssettm $0x1  }
0x9: {  	s19 =	sld [smem:$0x3FFB];
	_ =	sdelay $0x3  }
0xa: {  	_ =	strace s19  }
0xb: {  	s3 =	sld [smem:$0x3FFC];
	_ =	sdelay $0x3  }
0xc: {  	_ =	strace s3  }
0xd: {  	s3 =	sld [smem:$0x3FFD];
	_ =	sdelay $0x3  }
0xe: {  	_ =	strace s3  }
0xf: {  	_ =	strace $0x8FFFFFFF  }
0x10: {  	s20 =	sld [smem:$0x3FDB];
	_ =	sdelay $0x1  }
0x11: {  	s4 =	simm.s32 $_scs_section_size  }
0x12: {  	s5 =	simm.s32 $_size__tile_overlayer_lowered;
	s6 =	simm.s32 $_tile_overlayer_lowered  }
0x13: {  	s23 =	simm.s32 $0x1BFF;
	s22 =	sshll.u32 s6, $0x1;
	s3 =	sadd.s32 s4, s20  }
0x14: {  	s7 =	simm.s32 $0x0;
	s21 =	sshll.u32 s5, $0x1;
	s5 =	sadd.s32 s22, s3  }
0x15: {  	[timem:s7], [sflag:s23] =	dma.local [hbm:s5], s21  }
0x16: {  	_ =	swait.ge [sflag:s23], s21  }
0x17: {  	s4 =	ssub.s32 $0x0, s21;
	[sflag:s23] =	ssyncset.done $0x0  }
0x18: {  	[sflag:s23] =	ssyncadd.s32 s4;
	_ =	sdelay $0x1  }
0x19: {  	s24 =	simm.s32 $0x1B8B  }
0x1a: {  	_ =	swait.ge [sflag:s24], $0x1  }
0x1b: {  	[sflag:s24] =	ssyncset.done $0x0  }
0x1c: {  	s26 =	simm.s32 $0x1B8E;
	s25 =	sld [smem:$0x3FFE];
	[sflag:s24] =	ssyncadd.s32 $0xFFFFFFFF  }
0x1d: {  	s27 =	simm.s32 $execute0_lowered;
	[smem:$0x3FD2] =	sst s26  }
0x1e: {  	s5 =	sshll.u32 s27, $0x1;
	_ =	strace $0x80000049;
	[dreg:$0x1] =	wrdreg $0xFFFFFFFF  }
0x1f: {  	s28 =	simm.s32 $_size_execute0_lowered;
	s3 =	sadd.s32 s3, s5;
	[dreg:$0x0] =	wrdreg $0x0  }
0x20: {  	s5 =	sshll.u32 s28, $0x1;
	[dreg:$0x2] =	wrdreg s3  }
0x21: {  	[dreg:$0x3] =	wrdreg s5  }
0x22: {  	[dreg:$0x4] =	wrdreg $0xC0  }
0x23: {  	_ =	task [dreg:s7], $0x5FFFF  }
0x24: {  	[dreg:$0x1] =	wrdreg $0xFFFFFFFF  }
0x25: {  	[dreg:$0x0] =	wrdreg $0x60  }
0x26: {  	[dreg:$0x2] =	wrdreg s25  }
0x27: {  	[dreg:$0x3] =	wrdreg s2  }
0x28: {  	[dreg:$0x4] =	wrdreg $0x9  }
0x29: {  	_ =	task.clear_ibuf [dreg:s7], $0x5FFFF;
	_ =	strace $0x90000049  }
0x2a: {  	s29 =	simm.s32 $0x9;
	_ =	strace $0x8000004B  }
0x2b: {  	_ =	swait.ge [sflag:s29], $0x1  }
0x2c: {  	[sflag:s29] =	ssyncadd.s32 $0xFFFFFFFF  }
0x2d: {  	_ =	strace $0x9000004B  }
0x2e: {  	_ =	sfence  }
0x2f: {  	s30 =	sld [smem:$0x0];
	_ =	sdelay $0x2  }
0x30: {  	s31 =	sshll.u32 s1, $0xD;
	s1 =	sshrl.u32 s1, $0x2  }
0x31: {  	s3 =	sand.u32 $0x4000, s31;
	s1 =	sadd.s32 s1, s30  }
0x32: {  	s0 =	sor.u32 s3, s0;
	s1 =	sshll.u32 s1, $0x11  }
0x33: {  	s0 =	sor.u32 s1, s0  }
0x34: {  	s0 =	sadd.s32 $0x8F2B, s0  }
0x35: {  	[sflag:s0] =	ssyncadd.remote.s32 $0x1  }
0x36: {  	_ =	sfence.sel $0xFFFF  }
0x37: {  	[dreg:$0x0] =	wrdreg $0xFFFFFFFF;
	(pc) =	sbr.abs _section_cstart, $3  }
0x38: {  	[dreg:$0x1] =	wrdreg $0xFFFFFFFF  }
0x39: {  	_ =	task.clear_ibuf [dreg:s7], $0x2FFFF;
	_ =	strace $0x9FFFFFFF  }
0x3a: {  	(tm) =	ssettm $0x7FFFFFFF  }
0x3b: {  	_ =	shalt  }
tec
execute0_lowered:
.L_overlay_start_1:
0x0: {  	(tag) =	ssettag $0x1  }
0x1: {  	s0 =	srdreg.scid  }
0x2: {  	s1 =	sshll.u32 s0, $0x4  }
0x3: {  	s0 =	stileid.u32;
	s1 =	sand.u32 $0x10, s1  }
0x4: {  	s1 =	sor.u32 s0, s1  }
0x5: {  	s6 =	rddreg [dreg:$0x0];
	s4 =	simm.s32 $0x1;
	s2 =	sshll.u32 s1, $0x7  }
0x6: {  	s7 =	simm.s32 $0x2;
	s12 =	simm.s32 $0x0;
	s1 =	ssub.s32 $0x1000, s2  }
0x7: {  	s8 =	simm.s32 $0x8000;
	s13 =	simm.s32 $0x0;
	s3 =	sand.u32 $0xF80, s1  }
0x8: {  	s9 =	simm.s32 $0x0;
	s5 =	sshrl.u32 s1, $0xC;
	p0 =	sne.s32 s3, $0x0  }
.Ltmp0:
0x9: {  	s1 =	rddreg [dreg:$0x2];
	s4 =	simm.s32 @!p0 $0x0;
	(pc) =	sbr.rel .LBB1_1-.Ltmp0, $4  }
0xa: {  	s11 =	simm.s32 $0x0;
	s3 =	rddreg [dreg:$0x1];
	s5 =	sadd.s32 s4, s5  }
0xb: {  	_ =	strace $0x8000004A;
	s4 =	simm.s32 $0x1;
	s5 =	smul.u32 $0xC8, s5  }
0xc: {  	s6 =	sadd.s32 $0xA00, s6;
	s10 =	smov.u32 s2;
	[sflag:s4] =	ssyncpa.u1 $0x0  }
0xd: {  	p0 =	por $0x0, $0x0;
	[sflag:s7] =	ssyncpa.u1 $0x0;
	s7 =	sor.u32 $0x1, s5  }
.LBB1_4:
0xe: {  	s16 =	sshll.u32 s13, $0x3;
	s17 =	sand.u32 $0x78, s13  }
0xf: {  	s30 =	sand.u32 $0x7E00, s13;
	s12 =	sshll.u32 s12, $0xF;
	s16 =	sand.u32 $0xC00, s16  }
0x10: {  	[tilespmem:s15+$0x810 ss:$0x81] =	vst.msk $0xffff, v2;
	s31 =	sand.u32 $0x7, s13;
	s16 =	sor.u32 s17, s16;
	s17 =	sadd.s32 s3, s30  }
0x11: {  	[tilespmem:s15+$0x1020 ss:$0x81] =	vst.msk $0xffff, v0;
	s13 =	sshll.u32 s31, $0x12;
	s12 =	sadd.s32 s12, s17;
	s16 =	sshrl.u32 s16, $0x3  }
0x12: {  	[tilespmem:s15+$0x0 ss:$0x81] =	vst.msk $0xffff, v1;
	s13 =	sor.u32 $0x400, s13;
	s12 =	sadd.s32 s16, s12  }
0x13: {  	[hbm4b:s12+s13] =	stream.strided.scatter [tilespmem:s14], [sflag:$0x2], $0x2000, s8, s13, $0x20;
	[tilespmem:$0x8080] =	vst v63  }
.LBB1_5:
0x14: {  	s14 =	sadd.s32 $0x1, s9  }
0x15: {  	s12 =	sadd.s32 $0x1000, s10;
	s16 =	smov.u32 s10;
	p2 =	sgt.s32 s14, $0xC7  }
0x16: {  	s16 =	smov.u32 @p2 s12  }
0x17: {  	s14 =	simm.s32 @p2 $0x0;
	p2 =	sgt.s32 s16, $0xFFF  }
0x18: {  	s16 =	smov.u32 @p2 s2;
	p2 =	sne.s32 s11, s7  }
.Ltmp1:
0x19: {  	p1 =	slt.u32 s11, $0x2;
	(pc) =	sbr.rel @!p2 .LBB1_6-.Ltmp1, $4  }
0x1a: {  	s15 =	simm.s32 @!p1 $0x2  }
0x1b: {  	s13 =	smov.u32 s10;
	p0 =	por !p0, !p0;
	_ =	swait.ge @!p1 [sflag:s15], $0x2000  }
0x1c: {  	s12 =	smov.u32 s9;
	[sflag:s15] =	ssyncset.done @!p1 $0x0;
	s9 =	smov.u32 s14  }
0x1d: {  	s11 =	sadd.s32 $0x1, s11;
	[sflag:s15] =	ssyncadd.s32 @!p1 $0xFFFFE000;
	s10 =	smov.u32 s16  }
.LBB1_1:
0x1e: {  	p1 =	sge.u32 s11, s5  }
0x1f: {  	s14 =	sand.u32 @!p1 $0x1FFFFFF, s9  }
0x20: {  	s15 =	smulhi.u32 @!p1 $0x147AE15, s14;
	_ =	sdelay $0x1  }
0x21: {  	s15 =	smul.u32 @!p1 $0xC8, s15  }
0x22: {  	s16 =	sxor.u32 @!p1 $0xFFFFFFFF, s11;
	s17 =	smul.u32 @!p1 $0xC80, s10  }
0x23: {  	s31 =	sadd.s32 $0xFFFFFFFF, s11;
	s16 =	sshll.u32 @!p1 s16, $0xD;
	s14 =	ssub.s32 @!p1 s14, s15  }
0x24: {  	s15 =	sand.u32 @!p1 $0x2000, s16;
	s16 =	sadd.s32 @!p1 s6, s17;
	s14 =	sshll.u32 @!p1 s14, $0x4  }
0x25: {  	s17 =	simm.s32 @!p1 $0x6400;
	s14 =	sadd.s32 @!p1 s14, s16;
	s16 =	simm.s32 @!p1 $0x40  }
0x26: {  	[tilespmem:s15], [sflag:$0x1] =	stream.strided.gather @!p1 [hbm4b:s14+s16], $0x2000, s17, s16, $0x38;
	[tilespmem:$0x8080] =	vst v63  }
0x27: {  	p1 =	sge.u32 s31, s5  }
.Ltmp2:
0x28: {  	_ = 	snop;
	(pc) =	sbr.rel @p1 .LBB1_5-.Ltmp2, $1  }
0x29: {  	_ =	sdelay $0x3  }
0x2a: {  	s14 =	simm.s32 $0x1  }
0x2b: {  	_ =	swait.ge [sflag:s4], $0x2000;
	s14 =	simm.s32 @!p0 $0x0  }
0x2c: {  	[sflag:s4] =	ssyncset.done $0x0;
	s15 =	sshll.u32 s14, $0xD  }
0x2d: {  	[sflag:s4] =	ssyncadd.s32 $0xFFFFE000;
	s18 =	sor.u32 $0x20, s15  }
0x2e: {  	s14 =	smul.u32 $0x8100, s14;
	v3 =	vld [tilespmem:s18+$0x10]  }
0x2f: {  	s30 =	sand.u32 $0x1, s11;
	v2 =	vld [tilespmem:s18+$0xFFFFFFF0]  }
0x30: {  	s15 =	smul.u32 $0x8100, s30;
	s14 =	sshrl.u32 s14, $0x2;
	v0 =	vld [tilespmem:s18+$0x0]  }
0x31: {  	v1 =	vld [tilespmem:s18+$0xFFFFFFE0];
	s16 =	sor.u32 $0x4000, s14  }
0x32: {  	s31 =	sshrl.u32 s15, $0x2;
	s15 =	sadd.s32 $0x0, s16  }
0x33: {  	s17 =	simm.s32 $0x4;
	s18 =	sadd.s32 $0x40, s18;
	s14 =	sor.u32 $0x4000, s31;
	[tilespmem:s15+$0x1830 ss:$0x81] =	vst.msk $0xffff, v3  }
.LBB1_3:
0x34: {  	v3 =	vld [tilespmem:s18+$0x10];
	p1 =	sne.s32 s17, $0x1FC;
	[tilespmem:s15+$0x810 ss:$0x81] =	vst.msk $0xffff, v2;
	s19 =	smov.u32 s17;
	s17 =	sadd.s32 $0x4, s17  }
.Ltmp3:
0x35: {  	v2 =	vld [tilespmem:s18+$0xFFFFFFF0];
	[tilespmem:s15+$0x1020 ss:$0x81] =	vst.msk $0xffff, v0;
	(pc) =	sbr.rel @p1 .LBB1_3-.Ltmp3, $4  }
0x36: {  	v0 =	vld [tilespmem:s18+$0x0];
	[tilespmem:s15+$0x0 ss:$0x81] =	vst.msk $0xffff, v1  }
0x37: {  	s15 =	sshra.s32 s19, $0x2;
	v1 =	vld [tilespmem:s18+$0xFFFFFFE0]  }
0x38: {  	s15 =	sadd.s32 s15, s16  }
0x39: {  	s18 =	sadd.s32 $0x40, s18;
	[tilespmem:s15+$0x1830 ss:$0x81] =	vst.msk $0xffff, v3  }
.Ltmp4:
0x3a: {  	_ = 	snop;
	(pc) =	sbr.rel .LBB1_4-.Ltmp4, $1  }
0x3b: {  	_ =	sdelay $0x3  }
.LBB1_6:
0x3c: {  	_ =	sfence.sel $0x180000  }
0x3d: {  	s2 =	simm.s32 $0x1;
	[bflag:$0x0] =	sbarrier.arrive $0xFFFF  }
0x3e: {  	s31 =	simm.s32 $0x2;
	[sflag:s2] =	ssyncpa.u1 $0x1  }
0x3f: {  	[sflag:s31] =	ssyncpa.u1 $0x1  }
0x40: {  	p0 =	sne.s32 s0, $0x0;
	_ =	strace $0x9000004A  }
0x41: {  	s0 =	sadd.s32 @!p0 $0x100000, s1;
	[bflag:$0x2] =	sbarrier.arrive $0xFFFF  }
0x42: {  	[sflag:s0] =	ssyncadd.tile.s32 @!p0 $0x1;
	_ =	shalt  }
.Lfunc_end1:
_tile_overlayer_lowered:
.L_overlay_start_2:
0x43: {  	(tag) =	ssettag $0x2  }
0x44: {  	s0 =	rddreg [dreg:$0x0];
	s2 =	stileid.u32  }
0x45: {  	s1 =	rddreg [dreg:$0x1];
	p0 =	sne.s32 s2, $0x0  }
0x46: {  	s3 =	rddreg [dreg:$0x2];
	[bflag:$0x3] =	sbarrier.arrive $0xFFFF;
	s2 =	simm.s32 @!p0 $0x1C01  }
0x47: {  	[timem:s3], [sflag:s2] =	dma.local @!p0 [hbm:s0], s1  }
0x48: {  	s0 =	simm.s32 @!p0 $0x1  }
0x49: {  	_ =	swait.ge @!p0 [sflag:s0], s1  }
0x4a: {  	s1 =	ssub.s32 @!p0 $0x0, s1;
	[sflag:s0] =	ssyncset.done @!p0 $0x0  }
0x4b: {  	[sflag:s0] =	ssyncadd.s32 @!p0 s1  }
0x4c: {  	[bflag:$0x3] =	sbarrier.arrive $0xFFFF  }
0x4d: {  	_ =	shalt  }

</sc_bundles>
